<compile_context>
chip_gen: v7x
topology: tpu7x:2x2x1
jax: 0.10.2.dev20260603
libtpu: 0.0.44.dev20260713+nightly
codegen_flags: <defaults>
</compile_context>

<pallas_src>
import functools

import jax
import jax.numpy as jnp
from jax import lax
from jax.experimental import pallas as pl
from jax.experimental.pallas import tpu as pltpu
from jax.experimental.pallas import tpu_sc as plsc

B = 16384
D_OUT = 128
NC = 2
NS = 16
NW = NC * NS
BPW = B // NW
CH = 128
NCH = BPW // CH
UNROLL = 8


def _encode(fee2, ten2, plan3, level3, brand3, wb, eplan, elevel, ebrand):
  mesh = plsc.VectorSubcoreMesh(core_axis_name="c", subcore_axis_name="s")

  @functools.partial(
      pl.kernel,
      mesh=mesh,
      out_type=jax.ShapeDtypeStruct((B, D_OUT), jnp.float32),
      compiler_params=pltpu.CompilerParams(use_tc_tiling_on_sc=False),
      scratch_types=[
          pltpu.VMEM((NCH, CH), jnp.int32),
          pltpu.VMEM((NCH, CH), jnp.int32),
          pltpu.VMEM((NCH, CH), jnp.int32),
          pltpu.VMEM((BPW,), jnp.float32),
          pltpu.VMEM((BPW,), jnp.float32),
          pltpu.VMEM((128,), jnp.float32),
          pltpu.VMEM((BPW, 32), jnp.float32),
          pltpu.VMEM((BPW, 16), jnp.float32),
          pltpu.VMEM((BPW, 16), jnp.float32),
          pltpu.VMEM((BPW, 64), jnp.float32),
          pltpu.SemaphoreType.DMA,
          pltpu.SemaphoreType.DMA,
      ],
  )
  def enc(fee_hbm, ten_hbm, plan_hbm, level_hbm, brand_hbm, wb_hbm,
          eplan_hbm, elevel_hbm, ebrand_hbm, out_hbm,
          pidx, lidx, bidx, fee_v, ten_v, wb_v,
          prow, lrow, brow, num_v, gsem, osem):
    wid = lax.axis_index("s") * NC + lax.axis_index("c")
    base = wid * BPW

    stage = [
        pltpu.async_copy(plan_hbm.at[wid], pidx, osem),
        pltpu.async_copy(level_hbm.at[wid], lidx, osem),
        pltpu.async_copy(brand_hbm.at[wid], bidx, osem),
        pltpu.async_copy(fee_hbm.at[wid], fee_v, osem),
        pltpu.async_copy(ten_hbm.at[wid], ten_v, osem),
        pltpu.async_copy(wb_hbm, wb_v, osem),
    ]
    for s in stage[:3]:
      s.wait()

    gathers = []
    for c in range(NCH):
      gathers.append(pltpu.async_copy(
          eplan_hbm.at[pidx.at[c]], prow.at[pl.ds(c * CH, CH)], gsem))
      gathers.append(pltpu.async_copy(
          elevel_hbm.at[lidx.at[c]], lrow.at[pl.ds(c * CH, CH)], gsem))
      gathers.append(pltpu.async_copy(
          ebrand_hbm.at[bidx.at[c]], brow.at[pl.ds(c * CH, CH)], gsem))

    for s in stage[3:]:
      s.wait()

    wf_lo = wb_v[pl.ds(0, 16)]
    wf_hi = wb_v[pl.ds(16, 16)]
    bf_lo = wb_v[pl.ds(32, 16)]
    bf_hi = wb_v[pl.ds(48, 16)]
    wt_lo = wb_v[pl.ds(64, 16)]
    wt_hi = wb_v[pl.ds(80, 16)]
    bt_lo = wb_v[pl.ds(96, 16)]
    bt_hi = wb_v[pl.ds(112, 16)]

    def rows(g, carry):
      r0 = g * 16
      f16 = fee_v[pl.ds(r0, 16)]
      t16 = ten_v[pl.ds(r0, 16)]
      for k in range(16):
        i = r0 + k
        f = jnp.full((16,), f16[k], jnp.float32)
        t = jnp.full((16,), t16[k], jnp.float32)
        num_v[i, pl.ds(0, 16)] = f * wf_lo + bf_lo
        num_v[i, pl.ds(16, 16)] = f * wf_hi + bf_hi
        num_v[i, pl.ds(32, 16)] = t * wt_lo + bt_lo
        num_v[i, pl.ds(48, 16)] = t * wt_hi + bt_hi
      return carry

    lax.fori_loop(0, BPW // 16, rows, 0)

    out_num = pltpu.async_copy(
        num_v, out_hbm.at[pl.ds(base, BPW), pl.ds(0, 64)], osem)
    for g in gathers:
      g.wait()
    out_p = pltpu.async_copy(
        prow, out_hbm.at[pl.ds(base, BPW), pl.ds(64, 32)], osem)
    out_l = pltpu.async_copy(
        lrow, out_hbm.at[pl.ds(base, BPW), pl.ds(96, 16)], osem)
    out_b = pltpu.async_copy(
        brow, out_hbm.at[pl.ds(base, BPW), pl.ds(112, 16)], osem)
    out_num.wait()
    out_p.wait()
    out_l.wait()
    out_b.wait()

  return enc(fee2, ten2, plan3, level3, brand3, wb, eplan, elevel, ebrand)


def kernel(monthly_fee, tenure_months, plan_type, user_level, device_brand,
           W_fee, b_fee, W_ten, b_ten, emb_plan, emb_level, emb_brand):
  fee2 = monthly_fee.reshape(NW, BPW)
  ten2 = tenure_months.reshape(NW, BPW)
  plan3 = plan_type.reshape(NW, NCH, CH)
  level3 = user_level.reshape(NW, NCH, CH)
  brand3 = device_brand.reshape(NW, NCH, CH)
  wb = jnp.concatenate(
      [W_fee.reshape(32), b_fee, W_ten.reshape(32), b_ten])
  return _encode(fee2, ten2, plan3, level3, brand3, wb,
                 emb_plan, emb_level, emb_brand)

# --- scband reference (transcript-rebuilt; emitter-appended) ---
"""Pipeline reference for scband-hetero-feature-encoder-56427280335043 (READ-ONLY COPY).

The authoritative reference and input builder live on the scoring server;
editing this copy changes nothing except your own understanding.
"""

import jax, jax.numpy as jnp
import numpy as np

B = 16384
PLAN_V, LEVEL_V, BRAND_V = 1000, 1000, 100000

def setup_inputs(seed: int = 0) -> dict:
    key = jax.random.key(seed)
    ks = jax.random.split(key, 10)
    monthly_fee = jax.random.uniform(ks[0], (B,), dtype=jnp.float32)
    tenure_months = jax.random.uniform(ks[1], (B,), dtype=jnp.float32)
    plan_type = jax.random.randint(ks[2], (B,), 0, PLAN_V, dtype=jnp.int32)
    user_level = jax.random.randint(ks[3], (B,), 0, LEVEL_V, dtype=jnp.int32)
    device_brand = jax.random.randint(ks[4], (B,), 0, BRAND_V, dtype=jnp.int32)
    # learned params: numerical feature projections (1 -> dim) and categorical embedding tables
    W_fee = jax.random.normal(ks[5], (1, 32), dtype=jnp.float32) * 0.05
    b_fee = jnp.zeros((32,), dtype=jnp.float32)
    W_ten = jax.random.normal(ks[6], (1, 32), dtype=jnp.float32) * 0.05
    b_ten = jnp.zeros((32,), dtype=jnp.float32)
    emb_plan = jax.random.normal(ks[7], (PLAN_V, 32), dtype=jnp.float32) * 0.05
    emb_level = jax.random.normal(ks[8], (LEVEL_V, 16), dtype=jnp.float32) * 0.05
    emb_brand = jax.random.normal(ks[9], (BRAND_V, 16), dtype=jnp.float32) * 0.05
    return {
        'monthly_fee': monthly_fee,
        'tenure_months': tenure_months,
        'plan_type': plan_type,
        'user_level': user_level,
        'device_brand': device_brand,
        'W_fee': W_fee, 'b_fee': b_fee,
        'W_ten': W_ten, 'b_ten': b_ten,
        'emb_plan': emb_plan, 'emb_level': emb_level, 'emb_brand': emb_brand,
    }

def reference(monthly_fee, tenure_months, plan_type, user_level, device_brand,
              W_fee, b_fee, W_ten, b_ten, emb_plan, emb_level, emb_brand):
    # numerical features: linear projection from scalar to output_dim
    fee_feat = monthly_fee[:, None] @ W_fee + b_fee            # [B, 32]
    ten_feat = tenure_months[:, None] @ W_ten + b_ten          # [B, 32]
    # categorical features: embedding lookups (gather)
    plan_feat = jnp.take(emb_plan, plan_type, axis=0)          # [B, 32]
    level_feat = jnp.take(emb_level, user_level, axis=0)       # [B, 16]
    brand_feat = jnp.take(emb_brand, device_brand, axis=0)     # [B, 16]
    # concatenate per-feature encodings -> user node features [B, 128]
    return jnp.concatenate([fee_feat, ten_feat, plan_feat, level_feat, brand_feat], axis=-1)

if __name__ == "__main__":
    import jax
    _d = setup_inputs()
    print(jax.jit(kernel)(*tuple(_d.values())))

</pallas_src>

<mosaic_0001>
#map = affine_map<(d0, d1) -> (0, 0)>
#map1 = affine_map<(d0, d1) -> (0, 0, 0)>
#map2 = affine_map<(d0, d1) -> (0)>
module attributes {stable_mosaic.version = 14 : i64} {
  func.func @enc(%arg0: i32, %arg1: i32, %arg2: memref<32x512xf32, #tpu.memory_space<hbm>>, %arg3: memref<32x512xf32, #tpu.memory_space<hbm>>, %arg4: memref<32x4x128xi32, #tpu.memory_space<hbm>>, %arg5: memref<32x4x128xi32, #tpu.memory_space<hbm>>, %arg6: memref<32x4x128xi32, #tpu.memory_space<hbm>>, %arg7: memref<128xf32, #tpu.memory_space<hbm>>, %arg8: memref<1000x32xf32, #tpu.memory_space<hbm>>, %arg9: memref<1000x16xf32, #tpu.memory_space<hbm>>, %arg10: memref<100000x16xf32, #tpu.memory_space<hbm>>, %arg11: memref<16384x128xf32, #tpu.memory_space<hbm>>, %arg12: memref<4x128xi32, #tpu.memory_space<vmem>>, %arg13: memref<4x128xi32, #tpu.memory_space<vmem>>, %arg14: memref<4x128xi32, #tpu.memory_space<vmem>>, %arg15: memref<512xf32, #tpu.memory_space<vmem>>, %arg16: memref<512xf32, #tpu.memory_space<vmem>>, %arg17: memref<128xf32, #tpu.memory_space<vmem>>, %arg18: memref<512x32xf32, #tpu.memory_space<vmem>>, %arg19: memref<512x16xf32, #tpu.memory_space<vmem>>, %arg20: memref<512x16xf32, #tpu.memory_space<vmem>>, %arg21: memref<512x64xf32, #tpu.memory_space<vmem>>, %arg22: memref<!tpu.dma_semaphore, #tpu.memory_space<semaphore_mem>>, %arg23: memref<!tpu.dma_semaphore, #tpu.memory_space<semaphore_mem>>) attributes {dimension_semantics = [#tpu.dimension_semantics<core_parallel>, #tpu.dimension_semantics<subcore_parallel>], iteration_bounds = array<i64: 2, 16>, scalar_prefetch = 0 : i64, scratch_operands = 12 : i64, tpu.core_type = #tpu.core_type<sc_vector_subcore>, window_params = [{transform_indices = #map}, {transform_indices = #map}, {transform_indices = #map1}, {transform_indices = #map1}, {transform_indices = #map1}, {transform_indices = #map2}, {transform_indices = #map}, {transform_indices = #map}, {transform_indices = #map}, {transform_indices = #map}]} {
    %mul3A = arith.constant 2 : i32
    %mul3A_0 = arith.muli %arg1, %mul3A : i32
    %add3A = arith.addi %mul3A_0, %arg0 : i32
    %mul3A_1 = arith.constant 512 : i32
    %mul3A_2 = arith.muli %add3A, %mul3A_1 : i32
    %dma_start3A = arith.constant 0 : i32
    %dma_start3A_3 = arith.constant 0 : i32
    %dma_start3A_4 = tpu.memref_slice %arg4[%add3A, %dma_start3A, %dma_start3A_3] : memref<32x4x128xi32, #tpu.memory_space<hbm>> -> memref<1x4x128xi32, #tpu.memory_space<hbm>>
    %dma_start3A_5 = tpu.memref_squeeze %dma_start3A_4 : memref<1x4x128xi32, #tpu.memory_space<hbm>> -> memref<4x128xi32, #tpu.memory_space<hbm>>
    %dma_start3A_6 = arith.constant 0 : i32
    %dma_start3A_7 = arith.constant 0 : i32
    %dma_start3A_8 = tpu.memref_slice %arg4[%add3A, %dma_start3A_6, %dma_start3A_7] : memref<32x4x128xi32, #tpu.memory_space<hbm>> -> memref<1x4x128xi32, #tpu.memory_space<hbm>>
    %dma_start3A_9 = tpu.memref_squeeze %dma_start3A_8 : memref<1x4x128xi32, #tpu.memory_space<hbm>> -> memref<4x128xi32, #tpu.memory_space<hbm>>
    tpu.enqueue_dma source(%dma_start3A_9 : memref<4x128xi32, #tpu.memory_space<hbm>>) target(%arg12 : memref<4x128xi32, #tpu.memory_space<vmem>>) target_semaphore(%arg23 : memref<!tpu.dma_semaphore, #tpu.memory_space<semaphore_mem>>)
    %dma_start3A_10 = arith.constant 0 : i32
    %dma_start3A_11 = arith.constant 0 : i32
    %dma_start3A_12 = tpu.memref_slice %arg5[%add3A, %dma_start3A_10, %dma_start3A_11] : memref<32x4x128xi32, #tpu.memory_space<hbm>> -> memref<1x4x128xi32, #tpu.memory_space<hbm>>
    %dma_start3A_13 = tpu.memref_squeeze %dma_start3A_12 : memref<1x4x128xi32, #tpu.memory_space<hbm>> -> memref<4x128xi32, #tpu.memory_space<hbm>>
    %dma_start3A_14 = arith.constant 0 : i32
    %dma_start3A_15 = arith.constant 0 : i32
    %dma_start3A_16 = tpu.memref_slice %arg5[%add3A, %dma_start3A_14, %dma_start3A_15] : memref<32x4x128xi32, #tpu.memory_space<hbm>> -> memref<1x4x128xi32, #tpu.memory_space<hbm>>
    %dma_start3A_17 = tpu.memref_squeeze %dma_start3A_16 : memref<1x4x128xi32, #tpu.memory_space<hbm>> -> memref<4x128xi32, #tpu.memory_space<hbm>>
    tpu.enqueue_dma source(%dma_start3A_17 : memref<4x128xi32, #tpu.memory_space<hbm>>) target(%arg13 : memref<4x128xi32, #tpu.memory_space<vmem>>) target_semaphore(%arg23 : memref<!tpu.dma_semaphore, #tpu.memory_space<semaphore_mem>>)
    %dma_start3A_18 = arith.constant 0 : i32
    %dma_start3A_19 = arith.constant 0 : i32
    %dma_start3A_20 = tpu.memref_slice %arg6[%add3A, %dma_start3A_18, %dma_start3A_19] : memref<32x4x128xi32, #tpu.memory_space<hbm>> -> memref<1x4x128xi32, #tpu.memory_space<hbm>>
    %dma_start3A_21 = tpu.memref_squeeze %dma_start3A_20 : memref<1x4x128xi32, #tpu.memory_space<hbm>> -> memref<4x128xi32, #tpu.memory_space<hbm>>
    %dma_start3A_22 = arith.constant 0 : i32
    %dma_start3A_23 = arith.constant 0 : i32
    %dma_start3A_24 = tpu.memref_slice %arg6[%add3A, %dma_start3A_22, %dma_start3A_23] : memref<32x4x128xi32, #tpu.memory_space<hbm>> -> memref<1x4x128xi32, #tpu.memory_space<hbm>>
    %dma_start3A_25 = tpu.memref_squeeze %dma_start3A_24 : memref<1x4x128xi32, #tpu.memory_space<hbm>> -> memref<4x128xi32, #tpu.memory_space<hbm>>
    tpu.enqueue_dma source(%dma_start3A_25 : memref<4x128xi32, #tpu.memory_space<hbm>>) target(%arg14 : memref<4x128xi32, #tpu.memory_space<vmem>>) target_semaphore(%arg23 : memref<!tpu.dma_semaphore, #tpu.memory_space<semaphore_mem>>)
    %dma_start3A_26 = arith.constant 0 : i32
    %dma_start3A_27 = tpu.memref_slice %arg2[%add3A, %dma_start3A_26] : memref<32x512xf32, #tpu.memory_space<hbm>> -> memref<1x512xf32, #tpu.memory_space<hbm>>
    %dma_start3A_28 = tpu.memref_squeeze %dma_start3A_27 : memref<1x512xf32, #tpu.memory_space<hbm>> -> memref<512xf32, #tpu.memory_space<hbm>>
    %dma_start3A_29 = arith.constant 0 : i32
    %dma_start3A_30 = tpu.memref_slice %arg2[%add3A, %dma_start3A_29] : memref<32x512xf32, #tpu.memory_space<hbm>> -> memref<1x512xf32, #tpu.memory_space<hbm>>
    %dma_start3A_31 = tpu.memref_squeeze %dma_start3A_30 : memref<1x512xf32, #tpu.memory_space<hbm>> -> memref<512xf32, #tpu.memory_space<hbm>>
    tpu.enqueue_dma source(%dma_start3A_31 : memref<512xf32, #tpu.memory_space<hbm>>) target(%arg15 : memref<512xf32, #tpu.memory_space<vmem>>) target_semaphore(%arg23 : memref<!tpu.dma_semaphore, #tpu.memory_space<semaphore_mem>>)
    %dma_start3A_32 = arith.constant 0 : i32
    %dma_start3A_33 = tpu.memref_slice %arg3[%add3A, %dma_start3A_32] : memref<32x512xf32, #tpu.memory_space<hbm>> -> memref<1x512xf32, #tpu.memory_space<hbm>>
    %dma_start3A_34 = tpu.memref_squeeze %dma_start3A_33 : memref<1x512xf32, #tpu.memory_space<hbm>> -> memref<512xf32, #tpu.memory_space<hbm>>
    %dma_start3A_35 = arith.constant 0 : i32
    %dma_start3A_36 = tpu.memref_slice %arg3[%add3A, %dma_start3A_35] : memref<32x512xf32, #tpu.memory_space<hbm>> -> memref<1x512xf32, #tpu.memory_space<hbm>>
    %dma_start3A_37 = tpu.memref_squeeze %dma_start3A_36 : memref<1x512xf32, #tpu.memory_space<hbm>> -> memref<512xf32, #tpu.memory_space<hbm>>
    tpu.enqueue_dma source(%dma_start3A_37 : memref<512xf32, #tpu.memory_space<hbm>>) target(%arg16 : memref<512xf32, #tpu.memory_space<vmem>>) target_semaphore(%arg23 : memref<!tpu.dma_semaphore, #tpu.memory_space<semaphore_mem>>)
    tpu.enqueue_dma source(%arg7 : memref<128xf32, #tpu.memory_space<hbm>>) target(%arg17 : memref<128xf32, #tpu.memory_space<vmem>>) target_semaphore(%arg23 : memref<!tpu.dma_semaphore, #tpu.memory_space<semaphore_mem>>)
    %dma_wait3A = arith.constant 0 : i32
    %dma_wait3A_38 = arith.constant 0 : i32
    %dma_wait3A_39 = tpu.memref_slice %arg4[%add3A, %dma_wait3A, %dma_wait3A_38] : memref<32x4x128xi32, #tpu.memory_space<hbm>> -> memref<1x4x128xi32, #tpu.memory_space<hbm>>
    %dma_wait3A_40 = tpu.memref_squeeze %dma_wait3A_39 : memref<1x4x128xi32, #tpu.memory_space<hbm>> -> memref<4x128xi32, #tpu.memory_space<hbm>>
    %dma_wait3A_41 = arith.constant 0 : i32
    %dma_wait3A_42 = arith.constant 0 : i32
    %dma_wait3A_43 = tpu.memref_slice %arg4[%add3A, %dma_wait3A_41, %dma_wait3A_42] : memref<32x4x128xi32, #tpu.memory_space<hbm>> -> memref<1x4x128xi32, #tpu.memory_space<hbm>>
    %dma_wait3A_44 = tpu.memref_squeeze %dma_wait3A_43 : memref<1x4x128xi32, #tpu.memory_space<hbm>> -> memref<4x128xi32, #tpu.memory_space<hbm>>
    tpu.wait_dma2 semaphore(%arg23 : memref<!tpu.dma_semaphore, #tpu.memory_space<semaphore_mem>>) src(%dma_wait3A_44 : memref<4x128xi32, #tpu.memory_space<hbm>>) dst(%arg12 : memref<4x128xi32, #tpu.memory_space<vmem>>)
    %dma_wait3A_45 = arith.constant 0 : i32
    %dma_wait3A_46 = arith.constant 0 : i32
    %dma_wait3A_47 = tpu.memref_slice %arg5[%add3A, %dma_wait3A_45, %dma_wait3A_46] : memref<32x4x128xi32, #tpu.memory_space<hbm>> -> memref<1x4x128xi32, #tpu.memory_space<hbm>>
    %dma_wait3A_48 = tpu.memref_squeeze %dma_wait3A_47 : memref<1x4x128xi32, #tpu.memory_space<hbm>> -> memref<4x128xi32, #tpu.memory_space<hbm>>
    %dma_wait3A_49 = arith.constant 0 : i32
    %dma_wait3A_50 = arith.constant 0 : i32
    %dma_wait3A_51 = tpu.memref_slice %arg5[%add3A, %dma_wait3A_49, %dma_wait3A_50] : memref<32x4x128xi32, #tpu.memory_space<hbm>> -> memref<1x4x128xi32, #tpu.memory_space<hbm>>
    %dma_wait3A_52 = tpu.memref_squeeze %dma_wait3A_51 : memref<1x4x128xi32, #tpu.memory_space<hbm>> -> memref<4x128xi32, #tpu.memory_space<hbm>>
    tpu.wait_dma2 semaphore(%arg23 : memref<!tpu.dma_semaphore, #tpu.memory_space<semaphore_mem>>) src(%dma_wait3A_52 : memref<4x128xi32, #tpu.memory_space<hbm>>) dst(%arg13 : memref<4x128xi32, #tpu.memory_space<vmem>>)
    %dma_wait3A_53 = arith.constant 0 : i32
    %dma_wait3A_54 = arith.constant 0 : i32
    %dma_wait3A_55 = tpu.memref_slice %arg6[%add3A, %dma_wait3A_53, %dma_wait3A_54] : memref<32x4x128xi32, #tpu.memory_space<hbm>> -> memref<1x4x128xi32, #tpu.memory_space<hbm>>
    %dma_wait3A_56 = tpu.memref_squeeze %dma_wait3A_55 : memref<1x4x128xi32, #tpu.memory_space<hbm>> -> memref<4x128xi32, #tpu.memory_space<hbm>>
    %dma_wait3A_57 = arith.constant 0 : i32
    %dma_wait3A_58 = arith.constant 0 : i32
    %dma_wait3A_59 = tpu.memref_slice %arg6[%add3A, %dma_wait3A_57, %dma_wait3A_58] : memref<32x4x128xi32, #tpu.memory_space<hbm>> -> memref<1x4x128xi32, #tpu.memory_space<hbm>>
    %dma_wait3A_60 = tpu.memref_squeeze %dma_wait3A_59 : memref<1x4x128xi32, #tpu.memory_space<hbm>> -> memref<4x128xi32, #tpu.memory_space<hbm>>
    tpu.wait_dma2 semaphore(%arg23 : memref<!tpu.dma_semaphore, #tpu.memory_space<semaphore_mem>>) src(%dma_wait3A_60 : memref<4x128xi32, #tpu.memory_space<hbm>>) dst(%arg14 : memref<4x128xi32, #tpu.memory_space<vmem>>)
    %dma_start3A_61 = arith.constant 0 : i32
    %dma_start3A_62 = arith.constant 0 : i32
    %dma_start3A_63 = arith.constant 0 : i32
    %dma_start3A_64 = tpu.memref_slice %arg18[%dma_start3A_62, %dma_start3A_63] : memref<512x32xf32, #tpu.memory_space<vmem>> -> memref<128x32xf32, #tpu.memory_space<vmem>>
    %dma_start3A_65 = arith.constant 0 : i32
    %dma_start3A_66 = tpu.memref_slice %arg12[%dma_start3A_61, %dma_start3A_65] : memref<4x128xi32, #tpu.memory_space<vmem>> -> memref<1x128xi32, #tpu.memory_space<vmem>>
    %dma_start3A_67 = tpu.memref_squeeze %dma_start3A_66 : memref<1x128xi32, #tpu.memory_space<vmem>> -> memref<128xi32, #tpu.memory_space<vmem>>
    %dma_start3A_68 = arith.constant 0 : i32
    %dma_start3A_69 = arith.constant 0 : i32
    %dma_start3A_70 = tpu.memref_slice %arg8[%dma_start3A_68, %dma_start3A_69] : memref<1000x32xf32, #tpu.memory_space<hbm>> -> memref<1000x32xf32, #tpu.memory_space<hbm>>
    tpu.enqueue_indirect_dma source(%dma_start3A_70 : memref<1000x32xf32, #tpu.memory_space<hbm>>) target(%dma_start3A_64 : memref<128x32xf32, #tpu.memory_space<vmem>>) offsets(%dma_start3A_67 : memref<128xi32, #tpu.memory_space<vmem>>) semaphore(%arg22 : memref<!tpu.dma_semaphore, #tpu.memory_space<semaphore_mem>>)
    %dma_start3A_71 = arith.constant 0 : i32
    %dma_start3A_72 = arith.constant 0 : i32
    %dma_start3A_73 = arith.constant 0 : i32
    %dma_start3A_74 = tpu.memref_slice %arg19[%dma_start3A_72, %dma_start3A_73] : memref<512x16xf32, #tpu.memory_space<vmem>> -> memref<128x16xf32, #tpu.memory_space<vmem>>
    %dma_start3A_75 = arith.constant 0 : i32
    %dma_start3A_76 = tpu.memref_slice %arg13[%dma_start3A_71, %dma_start3A_75] : memref<4x128xi32, #tpu.memory_space<vmem>> -> memref<1x128xi32, #tpu.memory_space<vmem>>
    %dma_start3A_77 = tpu.memref_squeeze %dma_start3A_76 : memref<1x128xi32, #tpu.memory_space<vmem>> -> memref<128xi32, #tpu.memory_space<vmem>>
    %dma_start3A_78 = arith.constant 0 : i32
    %dma_start3A_79 = arith.constant 0 : i32
    %dma_start3A_80 = tpu.memref_slice %arg9[%dma_start3A_78, %dma_start3A_79] : memref<1000x16xf32, #tpu.memory_space<hbm>> -> memref<1000x16xf32, #tpu.memory_space<hbm>>
    tpu.enqueue_indirect_dma source(%dma_start3A_80 : memref<1000x16xf32, #tpu.memory_space<hbm>>) target(%dma_start3A_74 : memref<128x16xf32, #tpu.memory_space<vmem>>) offsets(%dma_start3A_77 : memref<128xi32, #tpu.memory_space<vmem>>) semaphore(%arg22 : memref<!tpu.dma_semaphore, #tpu.memory_space<semaphore_mem>>)
    %dma_start3A_81 = arith.constant 0 : i32
    %dma_start3A_82 = arith.constant 0 : i32
    %dma_start3A_83 = arith.constant 0 : i32
    %dma_start3A_84 = tpu.memref_slice %arg20[%dma_start3A_82, %dma_start3A_83] : memref<512x16xf32, #tpu.memory_space<vmem>> -> memref<128x16xf32, #tpu.memory_space<vmem>>
    %dma_start3A_85 = arith.constant 0 : i32
    %dma_start3A_86 = tpu.memref_slice %arg14[%dma_start3A_81, %dma_start3A_85] : memref<4x128xi32, #tpu.memory_space<vmem>> -> memref<1x128xi32, #tpu.memory_space<vmem>>
    %dma_start3A_87 = tpu.memref_squeeze %dma_start3A_86 : memref<1x128xi32, #tpu.memory_space<vmem>> -> memref<128xi32, #tpu.memory_space<vmem>>
    %dma_start3A_88 = arith.constant 0 : i32
    %dma_start3A_89 = arith.constant 0 : i32
    %dma_start3A_90 = tpu.memref_slice %arg10[%dma_start3A_88, %dma_start3A_89] : memref<100000x16xf32, #tpu.memory_space<hbm>> -> memref<100000x16xf32, #tpu.memory_space<hbm>>
    tpu.enqueue_indirect_dma source(%dma_start3A_90 : memref<100000x16xf32, #tpu.memory_space<hbm>>) target(%dma_start3A_84 : memref<128x16xf32, #tpu.memory_space<vmem>>) offsets(%dma_start3A_87 : memref<128xi32, #tpu.memory_space<vmem>>) semaphore(%arg22 : memref<!tpu.dma_semaphore, #tpu.memory_space<semaphore_mem>>)
    %dma_start3A_91 = arith.constant 1 : i32
    %dma_start3A_92 = arith.constant 128 : i32
    %dma_start3A_93 = arith.constant 0 : i32
    %dma_start3A_94 = tpu.memref_slice %arg18[%dma_start3A_92, %dma_start3A_93] : memref<512x32xf32, #tpu.memory_space<vmem>> -> memref<128x32xf32, #tpu.memory_space<vmem>>
    %dma_start3A_95 = arith.constant 0 : i32
    %dma_start3A_96 = tpu.memref_slice %arg12[%dma_start3A_91, %dma_start3A_95] : memref<4x128xi32, #tpu.memory_space<vmem>> -> memref<1x128xi32, #tpu.memory_space<vmem>>
    %dma_start3A_97 = tpu.memref_squeeze %dma_start3A_96 : memref<1x128xi32, #tpu.memory_space<vmem>> -> memref<128xi32, #tpu.memory_space<vmem>>
    %dma_start3A_98 = arith.constant 0 : i32
    %dma_start3A_99 = arith.constant 0 : i32
    %dma_start3A_100 = tpu.memref_slice %arg8[%dma_start3A_98, %dma_start3A_99] : memref<1000x32xf32, #tpu.memory_space<hbm>> -> memref<1000x32xf32, #tpu.memory_space<hbm>>
    tpu.enqueue_indirect_dma source(%dma_start3A_100 : memref<1000x32xf32, #tpu.memory_space<hbm>>) target(%dma_start3A_94 : memref<128x32xf32, #tpu.memory_space<vmem>>) offsets(%dma_start3A_97 : memref<128xi32, #tpu.memory_space<vmem>>) semaphore(%arg22 : memref<!tpu.dma_semaphore, #tpu.memory_space<semaphore_mem>>)
    %dma_start3A_101 = arith.constant 1 : i32
    %dma_start3A_102 = arith.constant 128 : i32
    %dma_start3A_103 = arith.constant 0 : i32
    %dma_start3A_104 = tpu.memref_slice %arg19[%dma_start3A_102, %dma_start3A_103] : memref<512x16xf32, #tpu.memory_space<vmem>> -> memref<128x16xf32, #tpu.memory_space<vmem>>
    %dma_start3A_105 = arith.constant 0 : i32
    %dma_start3A_106 = tpu.memref_slice %arg13[%dma_start3A_101, %dma_start3A_105] : memref<4x128xi32, #tpu.memory_space<vmem>> -> memref<1x128xi32, #tpu.memory_space<vmem>>
    %dma_start3A_107 = tpu.memref_squeeze %dma_start3A_106 : memref<1x128xi32, #tpu.memory_space<vmem>> -> memref<128xi32, #tpu.memory_space<vmem>>
    %dma_start3A_108 = arith.constant 0 : i32
    %dma_start3A_109 = arith.constant 0 : i32
    %dma_start3A_110 = tpu.memref_slice %arg9[%dma_start3A_108, %dma_start3A_109] : memref<1000x16xf32, #tpu.memory_space<hbm>> -> memref<1000x16xf32, #tpu.memory_space<hbm>>
    tpu.enqueue_indirect_dma source(%dma_start3A_110 : memref<1000x16xf32, #tpu.memory_space<hbm>>) target(%dma_start3A_104 : memref<128x16xf32, #tpu.memory_space<vmem>>) offsets(%dma_start3A_107 : memref<128xi32, #tpu.memory_space<vmem>>) semaphore(%arg22 : memref<!tpu.dma_semaphore, #tpu.memory_space<semaphore_mem>>)
    %dma_start3A_111 = arith.constant 1 : i32
    %dma_start3A_112 = arith.constant 128 : i32
    %dma_start3A_113 = arith.constant 0 : i32
    %dma_start3A_114 = tpu.memref_slice %arg20[%dma_start3A_112, %dma_start3A_113] : memref<512x16xf32, #tpu.memory_space<vmem>> -> memref<128x16xf32, #tpu.memory_space<vmem>>
    %dma_start3A_115 = arith.constant 0 : i32
    %dma_start3A_116 = tpu.memref_slice %arg14[%dma_start3A_111, %dma_start3A_115] : memref<4x128xi32, #tpu.memory_space<vmem>> -> memref<1x128xi32, #tpu.memory_space<vmem>>
    %dma_start3A_117 = tpu.memref_squeeze %dma_start3A_116 : memref<1x128xi32, #tpu.memory_space<vmem>> -> memref<128xi32, #tpu.memory_space<vmem>>
    %dma_start3A_118 = arith.constant 0 : i32
    %dma_start3A_119 = arith.constant 0 : i32
    %dma_start3A_120 = tpu.memref_slice %arg10[%dma_start3A_118, %dma_start3A_119] : memref<100000x16xf32, #tpu.memory_space<hbm>> -> memref<100000x16xf32, #tpu.memory_space<hbm>>
    tpu.enqueue_indirect_dma source(%dma_start3A_120 : memref<100000x16xf32, #tpu.memory_space<hbm>>) target(%dma_start3A_114 : memref<128x16xf32, #tpu.memory_space<vmem>>) offsets(%dma_start3A_117 : memref<128xi32, #tpu.memory_space<vmem>>) semaphore(%arg22 : memref<!tpu.dma_semaphore, #tpu.memory_space<semaphore_mem>>)
    %dma_start3A_121 = arith.constant 2 : i32
    %dma_start3A_122 = arith.constant 256 : i32
    %dma_start3A_123 = arith.constant 0 : i32
    %dma_start3A_124 = tpu.memref_slice %arg18[%dma_start3A_122, %dma_start3A_123] : memref<512x32xf32, #tpu.memory_space<vmem>> -> memref<128x32xf32, #tpu.memory_space<vmem>>
    %dma_start3A_125 = arith.constant 0 : i32
    %dma_start3A_126 = tpu.memref_slice %arg12[%dma_start3A_121, %dma_start3A_125] : memref<4x128xi32, #tpu.memory_space<vmem>> -> memref<1x128xi32, #tpu.memory_space<vmem>>
    %dma_start3A_127 = tpu.memref_squeeze %dma_start3A_126 : memref<1x128xi32, #tpu.memory_space<vmem>> -> memref<128xi32, #tpu.memory_space<vmem>>
    %dma_start3A_128 = arith.constant 0 : i32
    %dma_start3A_129 = arith.constant 0 : i32
    %dma_start3A_130 = tpu.memref_slice %arg8[%dma_start3A_128, %dma_start3A_129] : memref<1000x32xf32, #tpu.memory_space<hbm>> -> memref<1000x32xf32, #tpu.memory_space<hbm>>
    tpu.enqueue_indirect_dma source(%dma_start3A_130 : memref<1000x32xf32, #tpu.memory_space<hbm>>) target(%dma_start3A_124 : memref<128x32xf32, #tpu.memory_space<vmem>>) offsets(%dma_start3A_127 : memref<128xi32, #tpu.memory_space<vmem>>) semaphore(%arg22 : memref<!tpu.dma_semaphore, #tpu.memory_space<semaphore_mem>>)
    %dma_start3A_131 = arith.constant 2 : i32
    %dma_start3A_132 = arith.constant 256 : i32
    %dma_start3A_133 = arith.constant 0 : i32
    %dma_start3A_134 = tpu.memref_slice %arg19[%dma_start3A_132, %dma_start3A_133] : memref<512x16xf32, #tpu.memory_space<vmem>> -> memref<128x16xf32, #tpu.memory_space<vmem>>
    %dma_start3A_135 = arith.constant 0 : i32
    %dma_start3A_136 = tpu.memref_slice %arg13[%dma_start3A_131, %dma_start3A_135] : memref<4x128xi32, #tpu.memory_space<vmem>> -> memref<1x128xi32, #tpu.memory_space<vmem>>
    %dma_start3A_137 = tpu.memref_squeeze %dma_start3A_136 : memref<1x128xi32, #tpu.memory_space<vmem>> -> memref<128xi32, #tpu.memory_space<vmem>>
    %dma_start3A_138 = arith.constant 0 : i32
    %dma_start3A_139 = arith.constant 0 : i32
    %dma_start3A_140 = tpu.memref_slice %arg9[%dma_start3A_138, %dma_start3A_139] : memref<1000x16xf32, #tpu.memory_space<hbm>> -> memref<1000x16xf32, #tpu.memory_space<hbm>>
    tpu.enqueue_indirect_dma source(%dma_start3A_140 : memref<1000x16xf32, #tpu.memory_space<hbm>>) target(%dma_start3A_134 : memref<128x16xf32, #tpu.memory_space<vmem>>) offsets(%dma_start3A_137 : memref<128xi32, #tpu.memory_space<vmem>>) semaphore(%arg22 : memref<!tpu.dma_semaphore, #tpu.memory_space<semaphore_mem>>)
    %dma_start3A_141 = arith.constant 2 : i32
    %dma_start3A_142 = arith.constant 256 : i32
    %dma_start3A_143 = arith.constant 0 : i32
    %dma_start3A_144 = tpu.memref_slice %arg20[%dma_start3A_142, %dma_start3A_143] : memref<512x16xf32, #tpu.memory_space<vmem>> -> memref<128x16xf32, #tpu.memory_space<vmem>>
    %dma_start3A_145 = arith.constant 0 : i32
    %dma_start3A_146 = tpu.memref_slice %arg14[%dma_start3A_141, %dma_start3A_145] : memref<4x128xi32, #tpu.memory_space<vmem>> -> memref<1x128xi32, #tpu.memory_space<vmem>>
    %dma_start3A_147 = tpu.memref_squeeze %dma_start3A_146 : memref<1x128xi32, #tpu.memory_space<vmem>> -> memref<128xi32, #tpu.memory_space<vmem>>
    %dma_start3A_148 = arith.constant 0 : i32
    %dma_start3A_149 = arith.constant 0 : i32
    %dma_start3A_150 = tpu.memref_slice %arg10[%dma_start3A_148, %dma_start3A_149] : memref<100000x16xf32, #tpu.memory_space<hbm>> -> memref<100000x16xf32, #tpu.memory_space<hbm>>
    tpu.enqueue_indirect_dma source(%dma_start3A_150 : memref<100000x16xf32, #tpu.memory_space<hbm>>) target(%dma_start3A_144 : memref<128x16xf32, #tpu.memory_space<vmem>>) offsets(%dma_start3A_147 : memref<128xi32, #tpu.memory_space<vmem>>) semaphore(%arg22 : memref<!tpu.dma_semaphore, #tpu.memory_space<semaphore_mem>>)
    %dma_start3A_151 = arith.constant 3 : i32
    %dma_start3A_152 = arith.constant 384 : i32
    %dma_start3A_153 = arith.constant 0 : i32
    %dma_start3A_154 = tpu.memref_slice %arg18[%dma_start3A_152, %dma_start3A_153] : memref<512x32xf32, #tpu.memory_space<vmem>> -> memref<128x32xf32, #tpu.memory_space<vmem>>
    %dma_start3A_155 = arith.constant 0 : i32
    %dma_start3A_156 = tpu.memref_slice %arg12[%dma_start3A_151, %dma_start3A_155] : memref<4x128xi32, #tpu.memory_space<vmem>> -> memref<1x128xi32, #tpu.memory_space<vmem>>
    %dma_start3A_157 = tpu.memref_squeeze %dma_start3A_156 : memref<1x128xi32, #tpu.memory_space<vmem>> -> memref<128xi32, #tpu.memory_space<vmem>>
    %dma_start3A_158 = arith.constant 0 : i32
    %dma_start3A_159 = arith.constant 0 : i32
    %dma_start3A_160 = tpu.memref_slice %arg8[%dma_start3A_158, %dma_start3A_159] : memref<1000x32xf32, #tpu.memory_space<hbm>> -> memref<1000x32xf32, #tpu.memory_space<hbm>>
    tpu.enqueue_indirect_dma source(%dma_start3A_160 : memref<1000x32xf32, #tpu.memory_space<hbm>>) target(%dma_start3A_154 : memref<128x32xf32, #tpu.memory_space<vmem>>) offsets(%dma_start3A_157 : memref<128xi32, #tpu.memory_space<vmem>>) semaphore(%arg22 : memref<!tpu.dma_semaphore, #tpu.memory_space<semaphore_mem>>)
    %dma_start3A_161 = arith.constant 3 : i32
    %dma_start3A_162 = arith.constant 384 : i32
    %dma_start3A_163 = arith.constant 0 : i32
    %dma_start3A_164 = tpu.memref_slice %arg19[%dma_start3A_162, %dma_start3A_163] : memref<512x16xf32, #tpu.memory_space<vmem>> -> memref<128x16xf32, #tpu.memory_space<vmem>>
    %dma_start3A_165 = arith.constant 0 : i32
    %dma_start3A_166 = tpu.memref_slice %arg13[%dma_start3A_161, %dma_start3A_165] : memref<4x128xi32, #tpu.memory_space<vmem>> -> memref<1x128xi32, #tpu.memory_space<vmem>>
    %dma_start3A_167 = tpu.memref_squeeze %dma_start3A_166 : memref<1x128xi32, #tpu.memory_space<vmem>> -> memref<128xi32, #tpu.memory_space<vmem>>
    %dma_start3A_168 = arith.constant 0 : i32
    %dma_start3A_169 = arith.constant 0 : i32
    %dma_start3A_170 = tpu.memref_slice %arg9[%dma_start3A_168, %dma_start3A_169] : memref<1000x16xf32, #tpu.memory_space<hbm>> -> memref<1000x16xf32, #tpu.memory_space<hbm>>
    tpu.enqueue_indirect_dma source(%dma_start3A_170 : memref<1000x16xf32, #tpu.memory_space<hbm>>) target(%dma_start3A_164 : memref<128x16xf32, #tpu.memory_space<vmem>>) offsets(%dma_start3A_167 : memref<128xi32, #tpu.memory_space<vmem>>) semaphore(%arg22 : memref<!tpu.dma_semaphore, #tpu.memory_space<semaphore_mem>>)
    %dma_start3A_171 = arith.constant 3 : i32
    %dma_start3A_172 = arith.constant 384 : i32
    %dma_start3A_173 = arith.constant 0 : i32
    %dma_start3A_174 = tpu.memref_slice %arg20[%dma_start3A_172, %dma_start3A_173] : memref<512x16xf32, #tpu.memory_space<vmem>> -> memref<128x16xf32, #tpu.memory_space<vmem>>
    %dma_start3A_175 = arith.constant 0 : i32
    %dma_start3A_176 = tpu.memref_slice %arg14[%dma_start3A_171, %dma_start3A_175] : memref<4x128xi32, #tpu.memory_space<vmem>> -> memref<1x128xi32, #tpu.memory_space<vmem>>
    %dma_start3A_177 = tpu.memref_squeeze %dma_start3A_176 : memref<1x128xi32, #tpu.memory_space<vmem>> -> memref<128xi32, #tpu.memory_space<vmem>>
    %dma_start3A_178 = arith.constant 0 : i32
    %dma_start3A_179 = arith.constant 0 : i32
    %dma_start3A_180 = tpu.memref_slice %arg10[%dma_start3A_178, %dma_start3A_179] : memref<100000x16xf32, #tpu.memory_space<hbm>> -> memref<100000x16xf32, #tpu.memory_space<hbm>>
    tpu.enqueue_indirect_dma source(%dma_start3A_180 : memref<100000x16xf32, #tpu.memory_space<hbm>>) target(%dma_start3A_174 : memref<128x16xf32, #tpu.memory_space<vmem>>) offsets(%dma_start3A_177 : memref<128xi32, #tpu.memory_space<vmem>>) semaphore(%arg22 : memref<!tpu.dma_semaphore, #tpu.memory_space<semaphore_mem>>)
    %dma_wait3A_181 = arith.constant 0 : i32
    %dma_wait3A_182 = tpu.memref_slice %arg2[%add3A, %dma_wait3A_181] : memref<32x512xf32, #tpu.memory_space<hbm>> -> memref<1x512xf32, #tpu.memory_space<hbm>>
    %dma_wait3A_183 = tpu.memref_squeeze %dma_wait3A_182 : memref<1x512xf32, #tpu.memory_space<hbm>> -> memref<512xf32, #tpu.memory_space<hbm>>
    %dma_wait3A_184 = arith.constant 0 : i32
    %dma_wait3A_185 = tpu.memref_slice %arg2[%add3A, %dma_wait3A_184] : memref<32x512xf32, #tpu.memory_space<hbm>> -> memref<1x512xf32, #tpu.memory_space<hbm>>
    %dma_wait3A_186 = tpu.memref_squeeze %dma_wait3A_185 : memref<1x512xf32, #tpu.memory_space<hbm>> -> memref<512xf32, #tpu.memory_space<hbm>>
    tpu.wait_dma2 semaphore(%arg23 : memref<!tpu.dma_semaphore, #tpu.memory_space<semaphore_mem>>) src(%dma_wait3A_186 : memref<512xf32, #tpu.memory_space<hbm>>) dst(%arg15 : memref<512xf32, #tpu.memory_space<vmem>>)
    %dma_wait3A_187 = arith.constant 0 : i32
    %dma_wait3A_188 = tpu.memref_slice %arg3[%add3A, %dma_wait3A_187] : memref<32x512xf32, #tpu.memory_space<hbm>> -> memref<1x512xf32, #tpu.memory_space<hbm>>
    %dma_wait3A_189 = tpu.memref_squeeze %dma_wait3A_188 : memref<1x512xf32, #tpu.memory_space<hbm>> -> memref<512xf32, #tpu.memory_space<hbm>>
    %dma_wait3A_190 = arith.constant 0 : i32
    %dma_wait3A_191 = tpu.memref_slice %arg3[%add3A, %dma_wait3A_190] : memref<32x512xf32, #tpu.memory_space<hbm>> -> memref<1x512xf32, #tpu.memory_space<hbm>>
    %dma_wait3A_192 = tpu.memref_squeeze %dma_wait3A_191 : memref<1x512xf32, #tpu.memory_space<hbm>> -> memref<512xf32, #tpu.memory_space<hbm>>
    tpu.wait_dma2 semaphore(%arg23 : memref<!tpu.dma_semaphore, #tpu.memory_space<semaphore_mem>>) src(%dma_wait3A_192 : memref<512xf32, #tpu.memory_space<hbm>>) dst(%arg16 : memref<512xf32, #tpu.memory_space<vmem>>)
    tpu.wait_dma2 semaphore(%arg23 : memref<!tpu.dma_semaphore, #tpu.memory_space<semaphore_mem>>) src(%arg7 : memref<128xf32, #tpu.memory_space<hbm>>) dst(%arg17 : memref<128xf32, #tpu.memory_space<vmem>>)
    %get3A = arith.constant 0 : index
    %get3A_193 = tpu.vector_load %arg17[%get3A] {strides = array<i32>} : memref<128xf32, #tpu.memory_space<vmem>>, vector<16xf32>,
    %get3A_194 = vector.shape_cast %get3A_193 : vector<16xf32> to vector<16xf32>
    %get3A_195 = arith.constant 16 : index
    %get3A_196 = tpu.vector_load %arg17[%get3A_195] {strides = array<i32>} : memref<128xf32, #tpu.memory_space<vmem>>, vector<16xf32>,
    %get3A_197 = vector.shape_cast %get3A_196 : vector<16xf32> to vector<16xf32>
    %get3A_198 = arith.constant 32 : index
    %get3A_199 = tpu.vector_load %arg17[%get3A_198] {strides = array<i32>} : memref<128xf32, #tpu.memory_space<vmem>>, vector<16xf32>,
    %get3A_200 = vector.shape_cast %get3A_199 : vector<16xf32> to vector<16xf32>
    %get3A_201 = arith.constant 48 : index
    %get3A_202 = tpu.vector_load %arg17[%get3A_201] {strides = array<i32>} : memref<128xf32, #tpu.memory_space<vmem>>, vector<16xf32>,
    %get3A_203 = vector.shape_cast %get3A_202 : vector<16xf32> to vector<16xf32>
    %get3A_204 = arith.constant 64 : index
    %get3A_205 = tpu.vector_load %arg17[%get3A_204] {strides = array<i32>} : memref<128xf32, #tpu.memory_space<vmem>>, vector<16xf32>,
    %get3A_206 = vector.shape_cast %get3A_205 : vector<16xf32> to vector<16xf32>
    %get3A_207 = arith.constant 80 : index
    %get3A_208 = tpu.vector_load %arg17[%get3A_207] {strides = array<i32>} : memref<128xf32, #tpu.memory_space<vmem>>, vector<16xf32>,
    %get3A_209 = vector.shape_cast %get3A_208 : vector<16xf32> to vector<16xf32>
    %get3A_210 = arith.constant 96 : index
    %get3A_211 = tpu.vector_load %arg17[%get3A_210] {strides = array<i32>} : memref<128xf32, #tpu.memory_space<vmem>>, vector<16xf32>,
    %get3A_212 = vector.shape_cast %get3A_211 : vector<16xf32> to vector<16xf32>
    %get3A_213 = arith.constant 112 : index
    %get3A_214 = tpu.vector_load %arg17[%get3A_213] {strides = array<i32>} : memref<128xf32, #tpu.memory_space<vmem>>, vector<16xf32>,
    %get3A_215 = vector.shape_cast %get3A_214 : vector<16xf32> to vector<16xf32>
    %scan3A = arith.constant 0 : i32
    %scan3A_216 = arith.constant 0 : i32
    %scan3A_217 = arith.constant 32 : i32
    %scan3A_218 = arith.addi %scan3A_216, %scan3A_217 : i32
    %scan3A_219 = arith.constant 1 : i32
    scf.for %scan3A_373 = %scan3A_216 to %scan3A_218 step %scan3A_219  : i32 {
      %mul3A_374 = arith.constant 16 : i32
      %mul3A_375 = arith.muli %scan3A_373, %mul3A_374 : i32
      %get3A_376 = arith.index_cast %mul3A_375 : i32 to index
      %get3A_377 = tpu.vector_load %arg15[%get3A_376] {strides = array<i32>} : memref<512xf32, #tpu.memory_space<vmem>>, vector<16xf32>,
      %get3A_378 = vector.shape_cast %get3A_377 : vector<16xf32> to vector<16xf32>
      %get3A_379 = arith.index_cast %mul3A_375 : i32 to index
      %get3A_380 = tpu.vector_load %arg16[%get3A_379] {strides = array<i32>} : memref<512xf32, #tpu.memory_space<vmem>>, vector<16xf32>,
      %get3A_381 = vector.shape_cast %get3A_380 : vector<16xf32> to vector<16xf32>
      %add3A_382 = arith.constant 0 : i32
      %add3A_383 = arith.addi %mul3A_375, %add3A_382 : i32
      %slice3A = vector.extract_strided_slice %get3A_378 {offsets = [0], sizes = [1], strides = [1]} : vector<16xf32> to vector<1xf32>
      %squeeze3A = vector.extract %slice3A[0] : f32 from vector<1xf32>
      %broadcast_in_dim3A = vector.broadcast %squeeze3A : f32 to vector<16xf32>
      %slice3A_384 = vector.extract_strided_slice %get3A_381 {offsets = [0], sizes = [1], strides = [1]} : vector<16xf32> to vector<1xf32>
      %squeeze3A_385 = vector.extract %slice3A_384[0] : f32 from vector<1xf32>
      %broadcast_in_dim3A_386 = vector.broadcast %squeeze3A_385 : f32 to vector<16xf32>
      %mul3A_387 = arith.mulf %broadcast_in_dim3A, %get3A_194 : vector<16xf32>
      %add3A_388 = arith.addf %mul3A_387, %get3A_200 : vector<16xf32>
      %swap3A = arith.index_cast %add3A_383 : i32 to index
      %swap3A_389 = arith.constant 0 : index
      %swap3A_390 = tpu.vector_load %arg21[%swap3A, %swap3A_389] {strides = array<i32>} : memref<512x64xf32, #tpu.memory_space<vmem>>, vector<1x16xf32>,
      %swap3A_391 = vector.shape_cast %swap3A_390 : vector<1x16xf32> to vector<16xf32>
      %swap3A_392 = vector.shape_cast %add3A_388 : vector<16xf32> to vector<1x16xf32>
      tpu.vector_store %arg21[%swap3A, %swap3A_389], %swap3A_392 {strides = array<i32>} : memref<512x64xf32, #tpu.memory_space<vmem>>, vector<1x16xf32>,
      %mul3A_393 = arith.mulf %broadcast_in_dim3A, %get3A_197 : vector<16xf32>
      %add3A_394 = arith.addf %mul3A_393, %get3A_203 : vector<16xf32>
      %swap3A_395 = arith.index_cast %add3A_383 : i32 to index
      %swap3A_396 = arith.constant 16 : index
      %swap3A_397 = tpu.vector_load %arg21[%swap3A_395, %swap3A_396] {strides = array<i32>} : memref<512x64xf32, #tpu.memory_space<vmem>>, vector<1x16xf32>,
      %swap3A_398 = vector.shape_cast %swap3A_397 : vector<1x16xf32> to vector<16xf32>
      %swap3A_399 = vector.shape_cast %add3A_394 : vector<16xf32> to vector<1x16xf32>
      tpu.vector_store %arg21[%swap3A_395, %swap3A_396], %swap3A_399 {strides = array<i32>} : memref<512x64xf32, #tpu.memory_space<vmem>>, vector<1x16xf32>,
      %mul3A_400 = arith.mulf %broadcast_in_dim3A_386, %get3A_206 : vector<16xf32>
      %add3A_401 = arith.addf %mul3A_400, %get3A_212 : vector<16xf32>
      %swap3A_402 = arith.index_cast %add3A_383 : i32 to index
      %swap3A_403 = arith.constant 32 : index
      %swap3A_404 = tpu.vector_load %arg21[%swap3A_402, %swap3A_403] {strides = array<i32>} : memref<512x64xf32, #tpu.memory_space<vmem>>, vector<1x16xf32>,
      %swap3A_405 = vector.shape_cast %swap3A_404 : vector<1x16xf32> to vector<16xf32>
      %swap3A_406 = vector.shape_cast %add3A_401 : vector<16xf32> to vector<1x16xf32>
      tpu.vector_store %arg21[%swap3A_402, %swap3A_403], %swap3A_406 {strides = array<i32>} : memref<512x64xf32, #tpu.memory_space<vmem>>, vector<1x16xf32>,
      %mul3A_407 = arith.mulf %broadcast_in_dim3A_386, %get3A_209 : vector<16xf32>
      %add3A_408 = arith.addf %mul3A_407, %get3A_215 : vector<16xf32>
      %swap3A_409 = arith.index_cast %add3A_383 : i32 to index
      %swap3A_410 = arith.constant 48 : index
      %swap3A_411 = tpu.vector_load %arg21[%swap3A_409, %swap3A_410] {strides = array<i32>} : memref<512x64xf32, #tpu.memory_space<vmem>>, vector<1x16xf32>,
      %swap3A_412 = vector.shape_cast %swap3A_411 : vector<1x16xf32> to vector<16xf32>
      %swap3A_413 = vector.shape_cast %add3A_408 : vector<16xf32> to vector<1x16xf32>
      tpu.vector_store %arg21[%swap3A_409, %swap3A_410], %swap3A_413 {strides = array<i32>} : memref<512x64xf32, #tpu.memory_space<vmem>>, vector<1x16xf32>,
      %add3A_414 = arith.constant 1 : i32
      %add3A_415 = arith.addi %mul3A_375, %add3A_414 : i32
      %slice3A_416 = vector.extract_strided_slice %get3A_378 {offsets = [1], sizes = [1], strides = [1]} : vector<16xf32> to vector<1xf32>
      %squeeze3A_417 = vector.extract %slice3A_416[0] : f32 from vector<1xf32>
      %broadcast_in_dim3A_418 = vector.broadcast %squeeze3A_417 : f32 to vector<16xf32>
      %slice3A_419 = vector.extract_strided_slice %get3A_381 {offsets = [1], sizes = [1], strides = [1]} : vector<16xf32> to vector<1xf32>
      %squeeze3A_420 = vector.extract %slice3A_419[0] : f32 from vector<1xf32>
      %broadcast_in_dim3A_421 = vector.broadcast %squeeze3A_420 : f32 to vector<16xf32>
      %mul3A_422 = arith.mulf %broadcast_in_dim3A_418, %get3A_194 : vector<16xf32>
      %add3A_423 = arith.addf %mul3A_422, %get3A_200 : vector<16xf32>
      %swap3A_424 = arith.index_cast %add3A_415 : i32 to index
      %swap3A_425 = arith.constant 0 : index
      %swap3A_426 = tpu.vector_load %arg21[%swap3A_424, %swap3A_425] {strides = array<i32>} : memref<512x64xf32, #tpu.memory_space<vmem>>, vector<1x16xf32>,
      %swap3A_427 = vector.shape_cast %swap3A_426 : vector<1x16xf32> to vector<16xf32>
      %swap3A_428 = vector.shape_cast %add3A_423 : vector<16xf32> to vector<1x16xf32>
      tpu.vector_store %arg21[%swap3A_424, %swap3A_425], %swap3A_428 {strides = array<i32>} : memref<512x64xf32, #tpu.memory_space<vmem>>, vector<1x16xf32>,
      %mul3A_429 = arith.mulf %broadcast_in_dim3A_418, %get3A_197 : vector<16xf32>
      %add3A_430 = arith.addf %mul3A_429, %get3A_203 : vector<16xf32>
      %swap3A_431 = arith.index_cast %add3A_415 : i32 to index
      %swap3A_432 = arith.constant 16 : index
      %swap3A_433 = tpu.vector_load %arg21[%swap3A_431, %swap3A_432] {strides = array<i32>} : memref<512x64xf32, #tpu.memory_space<vmem>>, vector<1x16xf32>,
      %swap3A_434 = vector.shape_cast %swap3A_433 : vector<1x16xf32> to vector<16xf32>
      %swap3A_435 = vector.shape_cast %add3A_430 : vector<16xf32> to vector<1x16xf32>
      tpu.vector_store %arg21[%swap3A_431, %swap3A_432], %swap3A_435 {strides = array<i32>} : memref<512x64xf32, #tpu.memory_space<vmem>>, vector<1x16xf32>,
      %mul3A_436 = arith.mulf %broadcast_in_dim3A_421, %get3A_206 : vector<16xf32>
      %add3A_437 = arith.addf %mul3A_436, %get3A_212 : vector<16xf32>
      %swap3A_438 = arith.index_cast %add3A_415 : i32 to index
      %swap3A_439 = arith.constant 32 : index
      %swap3A_440 = tpu.vector_load %arg21[%swap3A_438, %swap3A_439] {strides = array<i32>} : memref<512x64xf32, #tpu.memory_space<vmem>>, vector<1x16xf32>,
      %swap3A_441 = vector.shape_cast %swap3A_440 : vector<1x16xf32> to vector<16xf32>
      %swap3A_442 = vector.shape_cast %add3A_437 : vector<16xf32> to vector<1x16xf32>
      tpu.vector_store %arg21[%swap3A_438, %swap3A_439], %swap3A_442 {strides = array<i32>} : memref<512x64xf32, #tpu.memory_space<vmem>>, vector<1x16xf32>,
      %mul3A_443 = arith.mulf %broadcast_in_dim3A_421, %get3A_209 : vector<16xf32>
      %add3A_444 = arith.addf %mul3A_443, %get3A_215 : vector<16xf32>
      %swap3A_445 = arith.index_cast %add3A_415 : i32 to index
      %swap3A_446 = arith.constant 48 : index
      %swap3A_447 = tpu.vector_load %arg21[%swap3A_445, %swap3A_446] {strides = array<i32>} : memref<512x64xf32, #tpu.memory_space<vmem>>, vector<1x16xf32>,
      %swap3A_448 = vector.shape_cast %swap3A_447 : vector<1x16xf32> to vector<16xf32>
      %swap3A_449 = vector.shape_cast %add3A_444 : vector<16xf32> to vector<1x16xf32>
      tpu.vector_store %arg21[%swap3A_445, %swap3A_446], %swap3A_449 {strides = array<i32>} : memref<512x64xf32, #tpu.memory_space<vmem>>, vector<1x16xf32>,
      %add3A_450 = arith.constant 2 : i32
      %add3A_451 = arith.addi %mul3A_375, %add3A_450 : i32
      %slice3A_452 = vector.extract_strided_slice %get3A_378 {offsets = [2], sizes = [1], strides = [1]} : vector<16xf32> to vector<1xf32>
      %squeeze3A_453 = vector.extract %slice3A_452[0] : f32 from vector<1xf32>
      %broadcast_in_dim3A_454 = vector.broadcast %squeeze3A_453 : f32 to vector<16xf32>
      %slice3A_455 = vector.extract_strided_slice %get3A_381 {offsets = [2], sizes = [1], strides = [1]} : vector<16xf32> to vector<1xf32>
      %squeeze3A_456 = vector.extract %slice3A_455[0] : f32 from vector<1xf32>
      %broadcast_in_dim3A_457 = vector.broadcast %squeeze3A_456 : f32 to vector<16xf32>
      %mul3A_458 = arith.mulf %broadcast_in_dim3A_454, %get3A_194 : vector<16xf32>
      %add3A_459 = arith.addf %mul3A_458, %get3A_200 : vector<16xf32>
      %swap3A_460 = arith.index_cast %add3A_451 : i32 to index
      %swap3A_461 = arith.constant 0 : index
      %swap3A_462 = tpu.vector_load %arg21[%swap3A_460, %swap3A_461] {strides = array<i32>} : memref<512x64xf32, #tpu.memory_space<vmem>>, vector<1x16xf32>,
      %swap3A_463 = vector.shape_cast %swap3A_462 : vector<1x16xf32> to vector<16xf32>
      %swap3A_464 = vector.shape_cast %add3A_459 : vector<16xf32> to vector<1x16xf32>
      tpu.vector_store %arg21[%swap3A_460, %swap3A_461], %swap3A_464 {strides = array<i32>} : memref<512x64xf32, #tpu.memory_space<vmem>>, vector<1x16xf32>,
      %mul3A_465 = arith.mulf %broadcast_in_dim3A_454, %get3A_197 : vector<16xf32>
      %add3A_466 = arith.addf %mul3A_465, %get3A_203 : vector<16xf32>
      %swap3A_467 = arith.index_cast %add3A_451 : i32 to index
      %swap3A_468 = arith.constant 16 : index
      %swap3A_469 = tpu.vector_load %arg21[%swap3A_467, %swap3A_468] {strides = array<i32>} : memref<512x64xf32, #tpu.memory_space<vmem>>, vector<1x16xf32>,
      %swap3A_470 = vector.shape_cast %swap3A_469 : vector<1x16xf32> to vector<16xf32>
      %swap3A_471 = vector.shape_cast %add3A_466 : vector<16xf32> to vector<1x16xf32>
      tpu.vector_store %arg21[%swap3A_467, %swap3A_468], %swap3A_471 {strides = array<i32>} : memref<512x64xf32, #tpu.memory_space<vmem>>, vector<1x16xf32>,
      %mul3A_472 = arith.mulf %broadcast_in_dim3A_457, %get3A_206 : vector<16xf32>
      %add3A_473 = arith.addf %mul3A_472, %get3A_212 : vector<16xf32>
      %swap3A_474 = arith.index_cast %add3A_451 : i32 to index
      %swap3A_475 = arith.constant 32 : index
      %swap3A_476 = tpu.vector_load %arg21[%swap3A_474, %swap3A_475] {strides = array<i32>} : memref<512x64xf32, #tpu.memory_space<vmem>>, vector<1x16xf32>,
      %swap3A_477 = vector.shape_cast %swap3A_476 : vector<1x16xf32> to vector<16xf32>
      %swap3A_478 = vector.shape_cast %add3A_473 : vector<16xf32> to vector<1x16xf32>
      tpu.vector_store %arg21[%swap3A_474, %swap3A_475], %swap3A_478 {strides = array<i32>} : memref<512x64xf32, #tpu.memory_space<vmem>>, vector<1x16xf32>,
      %mul3A_479 = arith.mulf %broadcast_in_dim3A_457, %get3A_209 : vector<16xf32>
      %add3A_480 = arith.addf %mul3A_479, %get3A_215 : vector<16xf32>
      %swap3A_481 = arith.index_cast %add3A_451 : i32 to index
      %swap3A_482 = arith.constant 48 : index
      %swap3A_483 = tpu.vector_load %arg21[%swap3A_481, %swap3A_482] {strides = array<i32>} : memref<512x64xf32, #tpu.memory_space<vmem>>, vector<1x16xf32>,
      %swap3A_484 = vector.shape_cast %swap3A_483 : vector<1x16xf32> to vector<16xf32>
      %swap3A_485 = vector.shape_cast %add3A_480 : vector<16xf32> to vector<1x16xf32>
      tpu.vector_store %arg21[%swap3A_481, %swap3A_482], %swap3A_485 {strides = array<i32>} : memref<512x64xf32, #tpu.memory_space<vmem>>, vector<1x16xf32>,
      %add3A_486 = arith.constant 3 : i32
      %add3A_487 = arith.addi %mul3A_375, %add3A_486 : i32
      %slice3A_488 = vector.extract_strided_slice %get3A_378 {offsets = [3], sizes = [1], strides = [1]} : vector<16xf32> to vector<1xf32>
      %squeeze3A_489 = vector.extract %slice3A_488[0] : f32 from vector<1xf32>
      %broadcast_in_dim3A_490 = vector.broadcast %squeeze3A_489 : f32 to vector<16xf32>
      %slice3A_491 = vector.extract_strided_slice %get3A_381 {offsets = [3], sizes = [1], strides = [1]} : vector<16xf32> to vector<1xf32>
      %squeeze3A_492 = vector.extract %slice3A_491[0] : f32 from vector<1xf32>
      %broadcast_in_dim3A_493 = vector.broadcast %squeeze3A_492 : f32 to vector<16xf32>
      %mul3A_494 = arith.mulf %broadcast_in_dim3A_490, %get3A_194 : vector<16xf32>
      %add3A_495 = arith.addf %mul3A_494, %get3A_200 : vector<16xf32>
      %swap3A_496 = arith.index_cast %add3A_487 : i32 to index
      %swap3A_497 = arith.constant 0 : index
      %swap3A_498 = tpu.vector_load %arg21[%swap3A_496, %swap3A_497] {strides = array<i32>} : memref<512x64xf32, #tpu.memory_space<vmem>>, vector<1x16xf32>,
      %swap3A_499 = vector.shape_cast %swap3A_498 : vector<1x16xf32> to vector<16xf32>
      %swap3A_500 = vector.shape_cast %add3A_495 : vector<16xf32> to vector<1x16xf32>
      tpu.vector_store %arg21[%swap3A_496, %swap3A_497], %swap3A_500 {strides = array<i32>} : memref<512x64xf32, #tpu.memory_space<vmem>>, vector<1x16xf32>,
      %mul3A_501 = arith.mulf %broadcast_in_dim3A_490, %get3A_197 : vector<16xf32>
      %add3A_502 = arith.addf %mul3A_501, %get3A_203 : vector<16xf32>
      %swap3A_503 = arith.index_cast %add3A_487 : i32 to index
      %swap3A_504 = arith.constant 16 : index
      %swap3A_505 = tpu.vector_load %arg21[%swap3A_503, %swap3A_504] {strides = array<i32>} : memref<512x64xf32, #tpu.memory_space<vmem>>, vector<1x16xf32>,
      %swap3A_506 = vector.shape_cast %swap3A_505 : vector<1x16xf32> to vector<16xf32>
      %swap3A_507 = vector.shape_cast %add3A_502 : vector<16xf32> to vector<1x16xf32>
      tpu.vector_store %arg21[%swap3A_503, %swap3A_504], %swap3A_507 {strides = array<i32>} : memref<512x64xf32, #tpu.memory_space<vmem>>, vector<1x16xf32>,
      %mul3A_508 = arith.mulf %broadcast_in_dim3A_493, %get3A_206 : vector<16xf32>
      %add3A_509 = arith.addf %mul3A_508, %get3A_212 : vector<16xf32>
      %swap3A_510 = arith.index_cast %add3A_487 : i32 to index
      %swap3A_511 = arith.constant 32 : index
      %swap3A_512 = tpu.vector_load %arg21[%swap3A_510, %swap3A_511] {strides = array<i32>} : memref<512x64xf32, #tpu.memory_space<vmem>>, vector<1x16xf32>,
      %swap3A_513 = vector.shape_cast %swap3A_512 : vector<1x16xf32> to vector<16xf32>
      %swap3A_514 = vector.shape_cast %add3A_509 : vector<16xf32> to vector<1x16xf32>
      tpu.vector_store %arg21[%swap3A_510, %swap3A_511], %swap3A_514 {strides = array<i32>} : memref<512x64xf32, #tpu.memory_space<vmem>>, vector<1x16xf32>,
      %mul3A_515 = arith.mulf %broadcast_in_dim3A_493, %get3A_209 : vector<16xf32>
      %add3A_516 = arith.addf %mul3A_515, %get3A_215 : vector<16xf32>
      %swap3A_517 = arith.index_cast %add3A_487 : i32 to index
      %swap3A_518 = arith.constant 48 : index
      %swap3A_519 = tpu.vector_load %arg21[%swap3A_517, %swap3A_518] {strides = array<i32>} : memref<512x64xf32, #tpu.memory_space<vmem>>, vector<1x16xf32>,
      %swap3A_520 = vector.shape_cast %swap3A_519 : vector<1x16xf32> to vector<16xf32>
      %swap3A_521 = vector.shape_cast %add3A_516 : vector<16xf32> to vector<1x16xf32>
      tpu.vector_store %arg21[%swap3A_517, %swap3A_518], %swap3A_521 {strides = array<i32>} : memref<512x64xf32, #tpu.memory_space<vmem>>, vector<1x16xf32>,
      %add3A_522 = arith.constant 4 : i32
      %add3A_523 = arith.addi %mul3A_375, %add3A_522 : i32
      %slice3A_524 = vector.extract_strided_slice %get3A_378 {offsets = [4], sizes = [1], strides = [1]} : vector<16xf32> to vector<1xf32>
      %squeeze3A_525 = vector.extract %slice3A_524[0] : f32 from vector<1xf32>
      %broadcast_in_dim3A_526 = vector.broadcast %squeeze3A_525 : f32 to vector<16xf32>
      %slice3A_527 = vector.extract_strided_slice %get3A_381 {offsets = [4], sizes = [1], strides = [1]} : vector<16xf32> to vector<1xf32>
      %squeeze3A_528 = vector.extract %slice3A_527[0] : f32 from vector<1xf32>
      %broadcast_in_dim3A_529 = vector.broadcast %squeeze3A_528 : f32 to vector<16xf32>
      %mul3A_530 = arith.mulf %broadcast_in_dim3A_526, %get3A_194 : vector<16xf32>
      %add3A_531 = arith.addf %mul3A_530, %get3A_200 : vector<16xf32>
      %swap3A_532 = arith.index_cast %add3A_523 : i32 to index
      %swap3A_533 = arith.constant 0 : index
      %swap3A_534 = tpu.vector_load %arg21[%swap3A_532, %swap3A_533] {strides = array<i32>} : memref<512x64xf32, #tpu.memory_space<vmem>>, vector<1x16xf32>,
      %swap3A_535 = vector.shape_cast %swap3A_534 : vector<1x16xf32> to vector<16xf32>
      %swap3A_536 = vector.shape_cast %add3A_531 : vector<16xf32> to vector<1x16xf32>
      tpu.vector_store %arg21[%swap3A_532, %swap3A_533], %swap3A_536 {strides = array<i32>} : memref<512x64xf32, #tpu.memory_space<vmem>>, vector<1x16xf32>,
      %mul3A_537 = arith.mulf %broadcast_in_dim3A_526, %get3A_197 : vector<16xf32>
      %add3A_538 = arith.addf %mul3A_537, %get3A_203 : vector<16xf32>
      %swap3A_539 = arith.index_cast %add3A_523 : i32 to index
      %swap3A_540 = arith.constant 16 : index
      %swap3A_541 = tpu.vector_load %arg21[%swap3A_539, %swap3A_540] {strides = array<i32>} : memref<512x64xf32, #tpu.memory_space<vmem>>, vector<1x16xf32>,
      %swap3A_542 = vector.shape_cast %swap3A_541 : vector<1x16xf32> to vector<16xf32>
      %swap3A_543 = vector.shape_cast %add3A_538 : vector<16xf32> to vector<1x16xf32>
      tpu.vector_store %arg21[%swap3A_539, %swap3A_540], %swap3A_543 {strides = array<i32>} : memref<512x64xf32, #tpu.memory_space<vmem>>, vector<1x16xf32>,
      %mul3A_544 = arith.mulf %broadcast_in_dim3A_529, %get3A_206 : vector<16xf32>
      %add3A_545 = arith.addf %mul3A_544, %get3A_212 : vector<16xf32>
      %swap3A_546 = arith.index_cast %add3A_523 : i32 to index
      %swap3A_547 = arith.constant 32 : index
      %swap3A_548 = tpu.vector_load %arg21[%swap3A_546, %swap3A_547] {strides = array<i32>} : memref<512x64xf32, #tpu.memory_space<vmem>>, vector<1x16xf32>,
      %swap3A_549 = vector.shape_cast %swap3A_548 : vector<1x16xf32> to vector<16xf32>
      %swap3A_550 = vector.shape_cast %add3A_545 : vector<16xf32> to vector<1x16xf32>
      tpu.vector_store %arg21[%swap3A_546, %swap3A_547], %swap3A_550 {strides = array<i32>} : memref<512x64xf32, #tpu.memory_space<vmem>>, vector<1x16xf32>,
      %mul3A_551 = arith.mulf %broadcast_in_dim3A_529, %get3A_209 : vector<16xf32>
      %add3A_552 = arith.addf %mul3A_551, %get3A_215 : vector<16xf32>
      %swap3A_553 = arith.index_cast %add3A_523 : i32 to index
      %swap3A_554 = arith.constant 48 : index
      %swap3A_555 = tpu.vector_load %arg21[%swap3A_553, %swap3A_554] {strides = array<i32>} : memref<512x64xf32, #tpu.memory_space<vmem>>, vector<1x16xf32>,
      %swap3A_556 = vector.shape_cast %swap3A_555 : vector<1x16xf32> to vector<16xf32>
      %swap3A_557 = vector.shape_cast %add3A_552 : vector<16xf32> to vector<1x16xf32>
      tpu.vector_store %arg21[%swap3A_553, %swap3A_554], %swap3A_557 {strides = array<i32>} : memref<512x64xf32, #tpu.memory_space<vmem>>, vector<1x16xf32>,
      %add3A_558 = arith.constant 5 : i32
      %add3A_559 = arith.addi %mul3A_375, %add3A_558 : i32
      %slice3A_560 = vector.extract_strided_slice %get3A_378 {offsets = [5], sizes = [1], strides = [1]} : vector<16xf32> to vector<1xf32>
      %squeeze3A_561 = vector.extract %slice3A_560[0] : f32 from vector<1xf32>
      %broadcast_in_dim3A_562 = vector.broadcast %squeeze3A_561 : f32 to vector<16xf32>
      %slice3A_563 = vector.extract_strided_slice %get3A_381 {offsets = [5], sizes = [1], strides = [1]} : vector<16xf32> to vector<1xf32>
      %squeeze3A_564 = vector.extract %slice3A_563[0] : f32 from vector<1xf32>
      %broadcast_in_dim3A_565 = vector.broadcast %squeeze3A_564 : f32 to vector<16xf32>
      %mul3A_566 = arith.mulf %broadcast_in_dim3A_562, %get3A_194 : vector<16xf32>
      %add3A_567 = arith.addf %mul3A_566, %get3A_200 : vector<16xf32>
      %swap3A_568 = arith.index_cast %add3A_559 : i32 to index
      %swap3A_569 = arith.constant 0 : index
      %swap3A_570 = tpu.vector_load %arg21[%swap3A_568, %swap3A_569] {strides = array<i32>} : memref<512x64xf32, #tpu.memory_space<vmem>>, vector<1x16xf32>,
      %swap3A_571 = vector.shape_cast %swap3A_570 : vector<1x16xf32> to vector<16xf32>
      %swap3A_572 = vector.shape_cast %add3A_567 : vector<16xf32> to vector<1x16xf32>
      tpu.vector_store %arg21[%swap3A_568, %swap3A_569], %swap3A_572 {strides = array<i32>} : memref<512x64xf32, #tpu.memory_space<vmem>>, vector<1x16xf32>,
      %mul3A_573 = arith.mulf %broadcast_in_dim3A_562, %get3A_197 : vector<16xf32>
      %add3A_574 = arith.addf %mul3A_573, %get3A_203 : vector<16xf32>
      %swap3A_575 = arith.index_cast %add3A_559 : i32 to index
      %swap3A_576 = arith.constant 16 : index
      %swap3A_577 = tpu.vector_load %arg21[%swap3A_575, %swap3A_576] {strides = array<i32>} : memref<512x64xf32, #tpu.memory_space<vmem>>, vector<1x16xf32>,
      %swap3A_578 = vector.shape_cast %swap3A_577 : vector<1x16xf32> to vector<16xf32>
      %swap3A_579 = vector.shape_cast %add3A_574 : vector<16xf32> to vector<1x16xf32>
      tpu.vector_store %arg21[%swap3A_575, %swap3A_576], %swap3A_579 {strides = array<i32>} : memref<512x64xf32, #tpu.memory_space<vmem>>, vector<1x16xf32>,
      %mul3A_580 = arith.mulf %broadcast_in_dim3A_565, %get3A_206 : vector<16xf32>
      %add3A_581 = arith.addf %mul3A_580, %get3A_212 : vector<16xf32>
      %swap3A_582 = arith.index_cast %add3A_559 : i32 to index
      %swap3A_583 = arith.constant 32 : index
      %swap3A_584 = tpu.vector_load %arg21[%swap3A_582, %swap3A_583] {strides = array<i32>} : memref<512x64xf32, #tpu.memory_space<vmem>>, vector<1x16xf32>,
      %swap3A_585 = vector.shape_cast %swap3A_584 : vector<1x16xf32> to vector<16xf32>
      %swap3A_586 = vector.shape_cast %add3A_581 : vector<16xf32> to vector<1x16xf32>
      tpu.vector_store %arg21[%swap3A_582, %swap3A_583], %swap3A_586 {strides = array<i32>} : memref<512x64xf32, #tpu.memory_space<vmem>>, vector<1x16xf32>,
      %mul3A_587 = arith.mulf %broadcast_in_dim3A_565, %get3A_209 : vector<16xf32>
      %add3A_588 = arith.addf %mul3A_587, %get3A_215 : vector<16xf32>
      %swap3A_589 = arith.index_cast %add3A_559 : i32 to index
      %swap3A_590 = arith.constant 48 : index
      %swap3A_591 = tpu.vector_load %arg21[%swap3A_589, %swap3A_590] {strides = array<i32>} : memref<512x64xf32, #tpu.memory_space<vmem>>, vector<1x16xf32>,
      %swap3A_592 = vector.shape_cast %swap3A_591 : vector<1x16xf32> to vector<16xf32>
      %swap3A_593 = vector.shape_cast %add3A_588 : vector<16xf32> to vector<1x16xf32>
      tpu.vector_store %arg21[%swap3A_589, %swap3A_590], %swap3A_593 {strides = array<i32>} : memref<512x64xf32, #tpu.memory_space<vmem>>, vector<1x16xf32>,
      %add3A_594 = arith.constant 6 : i32
      %add3A_595 = arith.addi %mul3A_375, %add3A_594 : i32
      %slice3A_596 = vector.extract_strided_slice %get3A_378 {offsets = [6], sizes = [1], strides = [1]} : vector<16xf32> to vector<1xf32>
      %squeeze3A_597 = vector.extract %slice3A_596[0] : f32 from vector<1xf32>
      %broadcast_in_dim3A_598 = vector.broadcast %squeeze3A_597 : f32 to vector<16xf32>
      %slice3A_599 = vector.extract_strided_slice %get3A_381 {offsets = [6], sizes = [1], strides = [1]} : vector<16xf32> to vector<1xf32>
      %squeeze3A_600 = vector.extract %slice3A_599[0] : f32 from vector<1xf32>
      %broadcast_in_dim3A_601 = vector.broadcast %squeeze3A_600 : f32 to vector<16xf32>
      %mul3A_602 = arith.mulf %broadcast_in_dim3A_598, %get3A_194 : vector<16xf32>
      %add3A_603 = arith.addf %mul3A_602, %get3A_200 : vector<16xf32>
      %swap3A_604 = arith.index_cast %add3A_595 : i32 to index
      %swap3A_605 = arith.constant 0 : index
      %swap3A_606 = tpu.vector_load %arg21[%swap3A_604, %swap3A_605] {strides = array<i32>} : memref<512x64xf32, #tpu.memory_space<vmem>>, vector<1x16xf32>,
      %swap3A_607 = vector.shape_cast %swap3A_606 : vector<1x16xf32> to vector<16xf32>
      %swap3A_608 = vector.shape_cast %add3A_603 : vector<16xf32> to vector<1x16xf32>
      tpu.vector_store %arg21[%swap3A_604, %swap3A_605], %swap3A_608 {strides = array<i32>} : memref<512x64xf32, #tpu.memory_space<vmem>>, vector<1x16xf32>,
      %mul3A_609 = arith.mulf %broadcast_in_dim3A_598, %get3A_197 : vector<16xf32>
      %add3A_610 = arith.addf %mul3A_609, %get3A_203 : vector<16xf32>
      %swap3A_611 = arith.index_cast %add3A_595 : i32 to index
      %swap3A_612 = arith.constant 16 : index
      %swap3A_613 = tpu.vector_load %arg21[%swap3A_611, %swap3A_612] {strides = array<i32>} : memref<512x64xf32, #tpu.memory_space<vmem>>, vector<1x16xf32>,
      %swap3A_614 = vector.shape_cast %swap3A_613 : vector<1x16xf32> to vector<16xf32>
      %swap3A_615 = vector.shape_cast %add3A_610 : vector<16xf32> to vector<1x16xf32>
      tpu.vector_store %arg21[%swap3A_611, %swap3A_612], %swap3A_615 {strides = array<i32>} : memref<512x64xf32, #tpu.memory_space<vmem>>, vector<1x16xf32>,
      %mul3A_616 = arith.mulf %broadcast_in_dim3A_601, %get3A_206 : vector<16xf32>
      %add3A_617 = arith.addf %mul3A_616, %get3A_212 : vector<16xf32>
      %swap3A_618 = arith.index_cast %add3A_595 : i32 to index
      %swap3A_619 = arith.constant 32 : index
      %swap3A_620 = tpu.vector_load %arg21[%swap3A_618, %swap3A_619] {strides = array<i32>} : memref<512x64xf32, #tpu.memory_space<vmem>>, vector<1x16xf32>,
      %swap3A_621 = vector.shape_cast %swap3A_620 : vector<1x16xf32> to vector<16xf32>
      %swap3A_622 = vector.shape_cast %add3A_617 : vector<16xf32> to vector<1x16xf32>
      tpu.vector_store %arg21[%swap3A_618, %swap3A_619], %swap3A_622 {strides = array<i32>} : memref<512x64xf32, #tpu.memory_space<vmem>>, vector<1x16xf32>,
      %mul3A_623 = arith.mulf %broadcast_in_dim3A_601, %get3A_209 : vector<16xf32>
      %add3A_624 = arith.addf %mul3A_623, %get3A_215 : vector<16xf32>
      %swap3A_625 = arith.index_cast %add3A_595 : i32 to index
      %swap3A_626 = arith.constant 48 : index
      %swap3A_627 = tpu.vector_load %arg21[%swap3A_625, %swap3A_626] {strides = array<i32>} : memref<512x64xf32, #tpu.memory_space<vmem>>, vector<1x16xf32>,
      %swap3A_628 = vector.shape_cast %swap3A_627 : vector<1x16xf32> to vector<16xf32>
      %swap3A_629 = vector.shape_cast %add3A_624 : vector<16xf32> to vector<1x16xf32>
      tpu.vector_store %arg21[%swap3A_625, %swap3A_626], %swap3A_629 {strides = array<i32>} : memref<512x64xf32, #tpu.memory_space<vmem>>, vector<1x16xf32>,
      %add3A_630 = arith.constant 7 : i32
      %add3A_631 = arith.addi %mul3A_375, %add3A_630 : i32
      %slice3A_632 = vector.extract_strided_slice %get3A_378 {offsets = [7], sizes = [1], strides = [1]} : vector<16xf32> to vector<1xf32>
      %squeeze3A_633 = vector.extract %slice3A_632[0] : f32 from vector<1xf32>
      %broadcast_in_dim3A_634 = vector.broadcast %squeeze3A_633 : f32 to vector<16xf32>
      %slice3A_635 = vector.extract_strided_slice %get3A_381 {offsets = [7], sizes = [1], strides = [1]} : vector<16xf32> to vector<1xf32>
      %squeeze3A_636 = vector.extract %slice3A_635[0] : f32 from vector<1xf32>
      %broadcast_in_dim3A_637 = vector.broadcast %squeeze3A_636 : f32 to vector<16xf32>
      %mul3A_638 = arith.mulf %broadcast_in_dim3A_634, %get3A_194 : vector<16xf32>
      %add3A_639 = arith.addf %mul3A_638, %get3A_200 : vector<16xf32>
      %swap3A_640 = arith.index_cast %add3A_631 : i32 to index
      %swap3A_641 = arith.constant 0 : index
      %swap3A_642 = tpu.vector_load %arg21[%swap3A_640, %swap3A_641] {strides = array<i32>} : memref<512x64xf32, #tpu.memory_space<vmem>>, vector<1x16xf32>,
      %swap3A_643 = vector.shape_cast %swap3A_642 : vector<1x16xf32> to vector<16xf32>
      %swap3A_644 = vector.shape_cast %add3A_639 : vector<16xf32> to vector<1x16xf32>
      tpu.vector_store %arg21[%swap3A_640, %swap3A_641], %swap3A_644 {strides = array<i32>} : memref<512x64xf32, #tpu.memory_space<vmem>>, vector<1x16xf32>,
      %mul3A_645 = arith.mulf %broadcast_in_dim3A_634, %get3A_197 : vector<16xf32>
      %add3A_646 = arith.addf %mul3A_645, %get3A_203 : vector<16xf32>
      %swap3A_647 = arith.index_cast %add3A_631 : i32 to index
      %swap3A_648 = arith.constant 16 : index
      %swap3A_649 = tpu.vector_load %arg21[%swap3A_647, %swap3A_648] {strides = array<i32>} : memref<512x64xf32, #tpu.memory_space<vmem>>, vector<1x16xf32>,
      %swap3A_650 = vector.shape_cast %swap3A_649 : vector<1x16xf32> to vector<16xf32>
      %swap3A_651 = vector.shape_cast %add3A_646 : vector<16xf32> to vector<1x16xf32>
      tpu.vector_store %arg21[%swap3A_647, %swap3A_648], %swap3A_651 {strides = array<i32>} : memref<512x64xf32, #tpu.memory_space<vmem>>, vector<1x16xf32>,
      %mul3A_652 = arith.mulf %broadcast_in_dim3A_637, %get3A_206 : vector<16xf32>
      %add3A_653 = arith.addf %mul3A_652, %get3A_212 : vector<16xf32>
      %swap3A_654 = arith.index_cast %add3A_631 : i32 to index
      %swap3A_655 = arith.constant 32 : index
      %swap3A_656 = tpu.vector_load %arg21[%swap3A_654, %swap3A_655] {strides = array<i32>} : memref<512x64xf32, #tpu.memory_space<vmem>>, vector<1x16xf32>,
      %swap3A_657 = vector.shape_cast %swap3A_656 : vector<1x16xf32> to vector<16xf32>
      %swap3A_658 = vector.shape_cast %add3A_653 : vector<16xf32> to vector<1x16xf32>
      tpu.vector_store %arg21[%swap3A_654, %swap3A_655], %swap3A_658 {strides = array<i32>} : memref<512x64xf32, #tpu.memory_space<vmem>>, vector<1x16xf32>,
      %mul3A_659 = arith.mulf %broadcast_in_dim3A_637, %get3A_209 : vector<16xf32>
      %add3A_660 = arith.addf %mul3A_659, %get3A_215 : vector<16xf32>
      %swap3A_661 = arith.index_cast %add3A_631 : i32 to index
      %swap3A_662 = arith.constant 48 : index
      %swap3A_663 = tpu.vector_load %arg21[%swap3A_661, %swap3A_662] {strides = array<i32>} : memref<512x64xf32, #tpu.memory_space<vmem>>, vector<1x16xf32>,
      %swap3A_664 = vector.shape_cast %swap3A_663 : vector<1x16xf32> to vector<16xf32>
      %swap3A_665 = vector.shape_cast %add3A_660 : vector<16xf32> to vector<1x16xf32>
      tpu.vector_store %arg21[%swap3A_661, %swap3A_662], %swap3A_665 {strides = array<i32>} : memref<512x64xf32, #tpu.memory_space<vmem>>, vector<1x16xf32>,
      %add3A_666 = arith.constant 8 : i32
      %add3A_667 = arith.addi %mul3A_375, %add3A_666 : i32
      %slice3A_668 = vector.extract_strided_slice %get3A_378 {offsets = [8], sizes = [1], strides = [1]} : vector<16xf32> to vector<1xf32>
      %squeeze3A_669 = vector.extract %slice3A_668[0] : f32 from vector<1xf32>
      %broadcast_in_dim3A_670 = vector.broadcast %squeeze3A_669 : f32 to vector<16xf32>
      %slice3A_671 = vector.extract_strided_slice %get3A_381 {offsets = [8], sizes = [1], strides = [1]} : vector<16xf32> to vector<1xf32>
      %squeeze3A_672 = vector.extract %slice3A_671[0] : f32 from vector<1xf32>
      %broadcast_in_dim3A_673 = vector.broadcast %squeeze3A_672 : f32 to vector<16xf32>
      %mul3A_674 = arith.mulf %broadcast_in_dim3A_670, %get3A_194 : vector<16xf32>
      %add3A_675 = arith.addf %mul3A_674, %get3A_200 : vector<16xf32>
      %swap3A_676 = arith.index_cast %add3A_667 : i32 to index
      %swap3A_677 = arith.constant 0 : index
      %swap3A_678 = tpu.vector_load %arg21[%swap3A_676, %swap3A_677] {strides = array<i32>} : memref<512x64xf32, #tpu.memory_space<vmem>>, vector<1x16xf32>,
      %swap3A_679 = vector.shape_cast %swap3A_678 : vector<1x16xf32> to vector<16xf32>
      %swap3A_680 = vector.shape_cast %add3A_675 : vector<16xf32> to vector<1x16xf32>
      tpu.vector_store %arg21[%swap3A_676, %swap3A_677], %swap3A_680 {strides = array<i32>} : memref<512x64xf32, #tpu.memory_space<vmem>>, vector<1x16xf32>,
      %mul3A_681 = arith.mulf %broadcast_in_dim3A_670, %get3A_197 : vector<16xf32>
      %add3A_682 = arith.addf %mul3A_681, %get3A_203 : vector<16xf32>
      %swap3A_683 = arith.index_cast %add3A_667 : i32 to index
      %swap3A_684 = arith.constant 16 : index
      %swap3A_685 = tpu.vector_load %arg21[%swap3A_683, %swap3A_684] {strides = array<i32>} : memref<512x64xf32, #tpu.memory_space<vmem>>, vector<1x16xf32>,
      %swap3A_686 = vector.shape_cast %swap3A_685 : vector<1x16xf32> to vector<16xf32>
      %swap3A_687 = vector.shape_cast %add3A_682 : vector<16xf32> to vector<1x16xf32>
      tpu.vector_store %arg21[%swap3A_683, %swap3A_684], %swap3A_687 {strides = array<i32>} : memref<512x64xf32, #tpu.memory_space<vmem>>, vector<1x16xf32>,
      %mul3A_688 = arith.mulf %broadcast_in_dim3A_673, %get3A_206 : vector<16xf32>
      %add3A_689 = arith.addf %mul3A_688, %get3A_212 : vector<16xf32>
      %swap3A_690 = arith.index_cast %add3A_667 : i32 to index
      %swap3A_691 = arith.constant 32 : index
      %swap3A_692 = tpu.vector_load %arg21[%swap3A_690, %swap3A_691] {strides = array<i32>} : memref<512x64xf32, #tpu.memory_space<vmem>>, vector<1x16xf32>,
      %swap3A_693 = vector.shape_cast %swap3A_692 : vector<1x16xf32> to vector<16xf32>
      %swap3A_694 = vector.shape_cast %add3A_689 : vector<16xf32> to vector<1x16xf32>
      tpu.vector_store %arg21[%swap3A_690, %swap3A_691], %swap3A_694 {strides = array<i32>} : memref<512x64xf32, #tpu.memory_space<vmem>>, vector<1x16xf32>,
      %mul3A_695 = arith.mulf %broadcast_in_dim3A_673, %get3A_209 : vector<16xf32>
      %add3A_696 = arith.addf %mul3A_695, %get3A_215 : vector<16xf32>
      %swap3A_697 = arith.index_cast %add3A_667 : i32 to index
      %swap3A_698 = arith.constant 48 : index
      %swap3A_699 = tpu.vector_load %arg21[%swap3A_697, %swap3A_698] {strides = array<i32>} : memref<512x64xf32, #tpu.memory_space<vmem>>, vector<1x16xf32>,
      %swap3A_700 = vector.shape_cast %swap3A_699 : vector<1x16xf32> to vector<16xf32>
      %swap3A_701 = vector.shape_cast %add3A_696 : vector<16xf32> to vector<1x16xf32>
      tpu.vector_store %arg21[%swap3A_697, %swap3A_698], %swap3A_701 {strides = array<i32>} : memref<512x64xf32, #tpu.memory_space<vmem>>, vector<1x16xf32>,
      %add3A_702 = arith.constant 9 : i32
      %add3A_703 = arith.addi %mul3A_375, %add3A_702 : i32
      %slice3A_704 = vector.extract_strided_slice %get3A_378 {offsets = [9], sizes = [1], strides = [1]} : vector<16xf32> to vector<1xf32>
      %squeeze3A_705 = vector.extract %slice3A_704[0] : f32 from vector<1xf32>
      %broadcast_in_dim3A_706 = vector.broadcast %squeeze3A_705 : f32 to vector<16xf32>
      %slice3A_707 = vector.extract_strided_slice %get3A_381 {offsets = [9], sizes = [1], strides = [1]} : vector<16xf32> to vector<1xf32>
      %squeeze3A_708 = vector.extract %slice3A_707[0] : f32 from vector<1xf32>
      %broadcast_in_dim3A_709 = vector.broadcast %squeeze3A_708 : f32 to vector<16xf32>
      %mul3A_710 = arith.mulf %broadcast_in_dim3A_706, %get3A_194 : vector<16xf32>
      %add3A_711 = arith.addf %mul3A_710, %get3A_200 : vector<16xf32>
      %swap3A_712 = arith.index_cast %add3A_703 : i32 to index
      %swap3A_713 = arith.constant 0 : index
      %swap3A_714 = tpu.vector_load %arg21[%swap3A_712, %swap3A_713] {strides = array<i32>} : memref<512x64xf32, #tpu.memory_space<vmem>>, vector<1x16xf32>,
      %swap3A_715 = vector.shape_cast %swap3A_714 : vector<1x16xf32> to vector<16xf32>
      %swap3A_716 = vector.shape_cast %add3A_711 : vector<16xf32> to vector<1x16xf32>
      tpu.vector_store %arg21[%swap3A_712, %swap3A_713], %swap3A_716 {strides = array<i32>} : memref<512x64xf32, #tpu.memory_space<vmem>>, vector<1x16xf32>,
      %mul3A_717 = arith.mulf %broadcast_in_dim3A_706, %get3A_197 : vector<16xf32>
      %add3A_718 = arith.addf %mul3A_717, %get3A_203 : vector<16xf32>
      %swap3A_719 = arith.index_cast %add3A_703 : i32 to index
      %swap3A_720 = arith.constant 16 : index
      %swap3A_721 = tpu.vector_load %arg21[%swap3A_719, %swap3A_720] {strides = array<i32>} : memref<512x64xf32, #tpu.memory_space<vmem>>, vector<1x16xf32>,
      %swap3A_722 = vector.shape_cast %swap3A_721 : vector<1x16xf32> to vector<16xf32>
      %swap3A_723 = vector.shape_cast %add3A_718 : vector<16xf32> to vector<1x16xf32>
      tpu.vector_store %arg21[%swap3A_719, %swap3A_720], %swap3A_723 {strides = array<i32>} : memref<512x64xf32, #tpu.memory_space<vmem>>, vector<1x16xf32>,
      %mul3A_724 = arith.mulf %broadcast_in_dim3A_709, %get3A_206 : vector<16xf32>
      %add3A_725 = arith.addf %mul3A_724, %get3A_212 : vector<16xf32>
      %swap3A_726 = arith.index_cast %add3A_703 : i32 to index
      %swap3A_727 = arith.constant 32 : index
      %swap3A_728 = tpu.vector_load %arg21[%swap3A_726, %swap3A_727] {strides = array<i32>} : memref<512x64xf32, #tpu.memory_space<vmem>>, vector<1x16xf32>,
      %swap3A_729 = vector.shape_cast %swap3A_728 : vector<1x16xf32> to vector<16xf32>
      %swap3A_730 = vector.shape_cast %add3A_725 : vector<16xf32> to vector<1x16xf32>
      tpu.vector_store %arg21[%swap3A_726, %swap3A_727], %swap3A_730 {strides = array<i32>} : memref<512x64xf32, #tpu.memory_space<vmem>>, vector<1x16xf32>,
      %mul3A_731 = arith.mulf %broadcast_in_dim3A_709, %get3A_209 : vector<16xf32>
      %add3A_732 = arith.addf %mul3A_731, %get3A_215 : vector<16xf32>
      %swap3A_733 = arith.index_cast %add3A_703 : i32 to index
      %swap3A_734 = arith.constant 48 : index
      %swap3A_735 = tpu.vector_load %arg21[%swap3A_733, %swap3A_734] {strides = array<i32>} : memref<512x64xf32, #tpu.memory_space<vmem>>, vector<1x16xf32>,
      %swap3A_736 = vector.shape_cast %swap3A_735 : vector<1x16xf32> to vector<16xf32>
      %swap3A_737 = vector.shape_cast %add3A_732 : vector<16xf32> to vector<1x16xf32>
      tpu.vector_store %arg21[%swap3A_733, %swap3A_734], %swap3A_737 {strides = array<i32>} : memref<512x64xf32, #tpu.memory_space<vmem>>, vector<1x16xf32>,
      %add3A_738 = arith.constant 10 : i32
      %add3A_739 = arith.addi %mul3A_375, %add3A_738 : i32
      %slice3A_740 = vector.extract_strided_slice %get3A_378 {offsets = [10], sizes = [1], strides = [1]} : vector<16xf32> to vector<1xf32>
      %squeeze3A_741 = vector.extract %slice3A_740[0] : f32 from vector<1xf32>
      %broadcast_in_dim3A_742 = vector.broadcast %squeeze3A_741 : f32 to vector<16xf32>
      %slice3A_743 = vector.extract_strided_slice %get3A_381 {offsets = [10], sizes = [1], strides = [1]} : vector<16xf32> to vector<1xf32>
      %squeeze3A_744 = vector.extract %slice3A_743[0] : f32 from vector<1xf32>
      %broadcast_in_dim3A_745 = vector.broadcast %squeeze3A_744 : f32 to vector<16xf32>
      %mul3A_746 = arith.mulf %broadcast_in_dim3A_742, %get3A_194 : vector<16xf32>
      %add3A_747 = arith.addf %mul3A_746, %get3A_200 : vector<16xf32>
      %swap3A_748 = arith.index_cast %add3A_739 : i32 to index
      %swap3A_749 = arith.constant 0 : index
      %swap3A_750 = tpu.vector_load %arg21[%swap3A_748, %swap3A_749] {strides = array<i32>} : memref<512x64xf32, #tpu.memory_space<vmem>>, vector<1x16xf32>,
      %swap3A_751 = vector.shape_cast %swap3A_750 : vector<1x16xf32> to vector<16xf32>
      %swap3A_752 = vector.shape_cast %add3A_747 : vector<16xf32> to vector<1x16xf32>
      tpu.vector_store %arg21[%swap3A_748, %swap3A_749], %swap3A_752 {strides = array<i32>} : memref<512x64xf32, #tpu.memory_space<vmem>>, vector<1x16xf32>,
      %mul3A_753 = arith.mulf %broadcast_in_dim3A_742, %get3A_197 : vector<16xf32>
      %add3A_754 = arith.addf %mul3A_753, %get3A_203 : vector<16xf32>
      %swap3A_755 = arith.index_cast %add3A_739 : i32 to index
      %swap3A_756 = arith.constant 16 : index
      %swap3A_757 = tpu.vector_load %arg21[%swap3A_755, %swap3A_756] {strides = array<i32>} : memref<512x64xf32, #tpu.memory_space<vmem>>, vector<1x16xf32>,
      %swap3A_758 = vector.shape_cast %swap3A_757 : vector<1x16xf32> to vector<16xf32>
      %swap3A_759 = vector.shape_cast %add3A_754 : vector<16xf32> to vector<1x16xf32>
      tpu.vector_store %arg21[%swap3A_755, %swap3A_756], %swap3A_759 {strides = array<i32>} : memref<512x64xf32, #tpu.memory_space<vmem>>, vector<1x16xf32>,
      %mul3A_760 = arith.mulf %broadcast_in_dim3A_745, %get3A_206 : vector<16xf32>
      %add3A_761 = arith.addf %mul3A_760, %get3A_212 : vector<16xf32>
      %swap3A_762 = arith.index_cast %add3A_739 : i32 to index
      %swap3A_763 = arith.constant 32 : index
      %swap3A_764 = tpu.vector_load %arg21[%swap3A_762, %swap3A_763] {strides = array<i32>} : memref<512x64xf32, #tpu.memory_space<vmem>>, vector<1x16xf32>,
      %swap3A_765 = vector.shape_cast %swap3A_764 : vector<1x16xf32> to vector<16xf32>
      %swap3A_766 = vector.shape_cast %add3A_761 : vector<16xf32> to vector<1x16xf32>
      tpu.vector_store %arg21[%swap3A_762, %swap3A_763], %swap3A_766 {strides = array<i32>} : memref<512x64xf32, #tpu.memory_space<vmem>>, vector<1x16xf32>,
      %mul3A_767 = arith.mulf %broadcast_in_dim3A_745, %get3A_209 : vector<16xf32>
      %add3A_768 = arith.addf %mul3A_767, %get3A_215 : vector<16xf32>
      %swap3A_769 = arith.index_cast %add3A_739 : i32 to index
      %swap3A_770 = arith.constant 48 : index
      %swap3A_771 = tpu.vector_load %arg21[%swap3A_769, %swap3A_770] {strides = array<i32>} : memref<512x64xf32, #tpu.memory_space<vmem>>, vector<1x16xf32>,
      %swap3A_772 = vector.shape_cast %swap3A_771 : vector<1x16xf32> to vector<16xf32>
      %swap3A_773 = vector.shape_cast %add3A_768 : vector<16xf32> to vector<1x16xf32>
      tpu.vector_store %arg21[%swap3A_769, %swap3A_770], %swap3A_773 {strides = array<i32>} : memref<512x64xf32, #tpu.memory_space<vmem>>, vector<1x16xf32>,
      %add3A_774 = arith.constant 11 : i32
      %add3A_775 = arith.addi %mul3A_375, %add3A_774 : i32
      %slice3A_776 = vector.extract_strided_slice %get3A_378 {offsets = [11], sizes = [1], strides = [1]} : vector<16xf32> to vector<1xf32>
      %squeeze3A_777 = vector.extract %slice3A_776[0] : f32 from vector<1xf32>
      %broadcast_in_dim3A_778 = vector.broadcast %squeeze3A_777 : f32 to vector<16xf32>
      %slice3A_779 = vector.extract_strided_slice %get3A_381 {offsets = [11], sizes = [1], strides = [1]} : vector<16xf32> to vector<1xf32>
      %squeeze3A_780 = vector.extract %slice3A_779[0] : f32 from vector<1xf32>
      %broadcast_in_dim3A_781 = vector.broadcast %squeeze3A_780 : f32 to vector<16xf32>
      %mul3A_782 = arith.mulf %broadcast_in_dim3A_778, %get3A_194 : vector<16xf32>
      %add3A_783 = arith.addf %mul3A_782, %get3A_200 : vector<16xf32>
      %swap3A_784 = arith.index_cast %add3A_775 : i32 to index
      %swap3A_785 = arith.constant 0 : index
      %swap3A_786 = tpu.vector_load %arg21[%swap3A_784, %swap3A_785] {strides = array<i32>} : memref<512x64xf32, #tpu.memory_space<vmem>>, vector<1x16xf32>,
      %swap3A_787 = vector.shape_cast %swap3A_786 : vector<1x16xf32> to vector<16xf32>
      %swap3A_788 = vector.shape_cast %add3A_783 : vector<16xf32> to vector<1x16xf32>
      tpu.vector_store %arg21[%swap3A_784, %swap3A_785], %swap3A_788 {strides = array<i32>} : memref<512x64xf32, #tpu.memory_space<vmem>>, vector<1x16xf32>,
      %mul3A_789 = arith.mulf %broadcast_in_dim3A_778, %get3A_197 : vector<16xf32>
      %add3A_790 = arith.addf %mul3A_789, %get3A_203 : vector<16xf32>
      %swap3A_791 = arith.index_cast %add3A_775 : i32 to index
      %swap3A_792 = arith.constant 16 : index
      %swap3A_793 = tpu.vector_load %arg21[%swap3A_791, %swap3A_792] {strides = array<i32>} : memref<512x64xf32, #tpu.memory_space<vmem>>, vector<1x16xf32>,
      %swap3A_794 = vector.shape_cast %swap3A_793 : vector<1x16xf32> to vector<16xf32>
      %swap3A_795 = vector.shape_cast %add3A_790 : vector<16xf32> to vector<1x16xf32>
      tpu.vector_store %arg21[%swap3A_791, %swap3A_792], %swap3A_795 {strides = array<i32>} : memref<512x64xf32, #tpu.memory_space<vmem>>, vector<1x16xf32>,
      %mul3A_796 = arith.mulf %broadcast_in_dim3A_781, %get3A_206 : vector<16xf32>
      %add3A_797 = arith.addf %mul3A_796, %get3A_212 : vector<16xf32>
      %swap3A_798 = arith.index_cast %add3A_775 : i32 to index
      %swap3A_799 = arith.constant 32 : index
      %swap3A_800 = tpu.vector_load %arg21[%swap3A_798, %swap3A_799] {strides = array<i32>} : memref<512x64xf32, #tpu.memory_space<vmem>>, vector<1x16xf32>,
      %swap3A_801 = vector.shape_cast %swap3A_800 : vector<1x16xf32> to vector<16xf32>
      %swap3A_802 = vector.shape_cast %add3A_797 : vector<16xf32> to vector<1x16xf32>
      tpu.vector_store %arg21[%swap3A_798, %swap3A_799], %swap3A_802 {strides = array<i32>} : memref<512x64xf32, #tpu.memory_space<vmem>>, vector<1x16xf32>,
      %mul3A_803 = arith.mulf %broadcast_in_dim3A_781, %get3A_209 : vector<16xf32>
      %add3A_804 = arith.addf %mul3A_803, %get3A_215 : vector<16xf32>
      %swap3A_805 = arith.index_cast %add3A_775 : i32 to index
      %swap3A_806 = arith.constant 48 : index
      %swap3A_807 = tpu.vector_load %arg21[%swap3A_805, %swap3A_806] {strides = array<i32>} : memref<512x64xf32, #tpu.memory_space<vmem>>, vector<1x16xf32>,
      %swap3A_808 = vector.shape_cast %swap3A_807 : vector<1x16xf32> to vector<16xf32>
      %swap3A_809 = vector.shape_cast %add3A_804 : vector<16xf32> to vector<1x16xf32>
      tpu.vector_store %arg21[%swap3A_805, %swap3A_806], %swap3A_809 {strides = array<i32>} : memref<512x64xf32, #tpu.memory_space<vmem>>, vector<1x16xf32>,
      %add3A_810 = arith.constant 12 : i32
      %add3A_811 = arith.addi %mul3A_375, %add3A_810 : i32
      %slice3A_812 = vector.extract_strided_slice %get3A_378 {offsets = [12], sizes = [1], strides = [1]} : vector<16xf32> to vector<1xf32>
      %squeeze3A_813 = vector.extract %slice3A_812[0] : f32 from vector<1xf32>
      %broadcast_in_dim3A_814 = vector.broadcast %squeeze3A_813 : f32 to vector<16xf32>
      %slice3A_815 = vector.extract_strided_slice %get3A_381 {offsets = [12], sizes = [1], strides = [1]} : vector<16xf32> to vector<1xf32>
      %squeeze3A_816 = vector.extract %slice3A_815[0] : f32 from vector<1xf32>
      %broadcast_in_dim3A_817 = vector.broadcast %squeeze3A_816 : f32 to vector<16xf32>
      %mul3A_818 = arith.mulf %broadcast_in_dim3A_814, %get3A_194 : vector<16xf32>
      %add3A_819 = arith.addf %mul3A_818, %get3A_200 : vector<16xf32>
      %swap3A_820 = arith.index_cast %add3A_811 : i32 to index
      %swap3A_821 = arith.constant 0 : index
      %swap3A_822 = tpu.vector_load %arg21[%swap3A_820, %swap3A_821] {strides = array<i32>} : memref<512x64xf32, #tpu.memory_space<vmem>>, vector<1x16xf32>,
      %swap3A_823 = vector.shape_cast %swap3A_822 : vector<1x16xf32> to vector<16xf32>
      %swap3A_824 = vector.shape_cast %add3A_819 : vector<16xf32> to vector<1x16xf32>
      tpu.vector_store %arg21[%swap3A_820, %swap3A_821], %swap3A_824 {strides = array<i32>} : memref<512x64xf32, #tpu.memory_space<vmem>>, vector<1x16xf32>,
      %mul3A_825 = arith.mulf %broadcast_in_dim3A_814, %get3A_197 : vector<16xf32>
      %add3A_826 = arith.addf %mul3A_825, %get3A_203 : vector<16xf32>
      %swap3A_827 = arith.index_cast %add3A_811 : i32 to index
      %swap3A_828 = arith.constant 16 : index
      %swap3A_829 = tpu.vector_load %arg21[%swap3A_827, %swap3A_828] {strides = array<i32>} : memref<512x64xf32, #tpu.memory_space<vmem>>, vector<1x16xf32>,
      %swap3A_830 = vector.shape_cast %swap3A_829 : vector<1x16xf32> to vector<16xf32>
      %swap3A_831 = vector.shape_cast %add3A_826 : vector<16xf32> to vector<1x16xf32>
      tpu.vector_store %arg21[%swap3A_827, %swap3A_828], %swap3A_831 {strides = array<i32>} : memref<512x64xf32, #tpu.memory_space<vmem>>, vector<1x16xf32>,
      %mul3A_832 = arith.mulf %broadcast_in_dim3A_817, %get3A_206 : vector<16xf32>
      %add3A_833 = arith.addf %mul3A_832, %get3A_212 : vector<16xf32>
      %swap3A_834 = arith.index_cast %add3A_811 : i32 to index
      %swap3A_835 = arith.constant 32 : index
      %swap3A_836 = tpu.vector_load %arg21[%swap3A_834, %swap3A_835] {strides = array<i32>} : memref<512x64xf32, #tpu.memory_space<vmem>>, vector<1x16xf32>,
      %swap3A_837 = vector.shape_cast %swap3A_836 : vector<1x16xf32> to vector<16xf32>
      %swap3A_838 = vector.shape_cast %add3A_833 : vector<16xf32> to vector<1x16xf32>
      tpu.vector_store %arg21[%swap3A_834, %swap3A_835], %swap3A_838 {strides = array<i32>} : memref<512x64xf32, #tpu.memory_space<vmem>>, vector<1x16xf32>,
      %mul3A_839 = arith.mulf %broadcast_in_dim3A_817, %get3A_209 : vector<16xf32>
      %add3A_840 = arith.addf %mul3A_839, %get3A_215 : vector<16xf32>
      %swap3A_841 = arith.index_cast %add3A_811 : i32 to index
      %swap3A_842 = arith.constant 48 : index
      %swap3A_843 = tpu.vector_load %arg21[%swap3A_841, %swap3A_842] {strides = array<i32>} : memref<512x64xf32, #tpu.memory_space<vmem>>, vector<1x16xf32>,
      %swap3A_844 = vector.shape_cast %swap3A_843 : vector<1x16xf32> to vector<16xf32>
      %swap3A_845 = vector.shape_cast %add3A_840 : vector<16xf32> to vector<1x16xf32>
      tpu.vector_store %arg21[%swap3A_841, %swap3A_842], %swap3A_845 {strides = array<i32>} : memref<512x64xf32, #tpu.memory_space<vmem>>, vector<1x16xf32>,
      %add3A_846 = arith.constant 13 : i32
      %add3A_847 = arith.addi %mul3A_375, %add3A_846 : i32
      %slice3A_848 = vector.extract_strided_slice %get3A_378 {offsets = [13], sizes = [1], strides = [1]} : vector<16xf32> to vector<1xf32>
      %squeeze3A_849 = vector.extract %slice3A_848[0] : f32 from vector<1xf32>
      %broadcast_in_dim3A_850 = vector.broadcast %squeeze3A_849 : f32 to vector<16xf32>
      %slice3A_851 = vector.extract_strided_slice %get3A_381 {offsets = [13], sizes = [1], strides = [1]} : vector<16xf32> to vector<1xf32>
      %squeeze3A_852 = vector.extract %slice3A_851[0] : f32 from vector<1xf32>
      %broadcast_in_dim3A_853 = vector.broadcast %squeeze3A_852 : f32 to vector<16xf32>
      %mul3A_854 = arith.mulf %broadcast_in_dim3A_850, %get3A_194 : vector<16xf32>
      %add3A_855 = arith.addf %mul3A_854, %get3A_200 : vector<16xf32>
      %swap3A_856 = arith.index_cast %add3A_847 : i32 to index
      %swap3A_857 = arith.constant 0 : index
      %swap3A_858 = tpu.vector_load %arg21[%swap3A_856, %swap3A_857] {strides = array<i32>} : memref<512x64xf32, #tpu.memory_space<vmem>>, vector<1x16xf32>,
      %swap3A_859 = vector.shape_cast %swap3A_858 : vector<1x16xf32> to vector<16xf32>
      %swap3A_860 = vector.shape_cast %add3A_855 : vector<16xf32> to vector<1x16xf32>
      tpu.vector_store %arg21[%swap3A_856, %swap3A_857], %swap3A_860 {strides = array<i32>} : memref<512x64xf32, #tpu.memory_space<vmem>>, vector<1x16xf32>,
      %mul3A_861 = arith.mulf %broadcast_in_dim3A_850, %get3A_197 : vector<16xf32>
      %add3A_862 = arith.addf %mul3A_861, %get3A_203 : vector<16xf32>
      %swap3A_863 = arith.index_cast %add3A_847 : i32 to index
      %swap3A_864 = arith.constant 16 : index
      %swap3A_865 = tpu.vector_load %arg21[%swap3A_863, %swap3A_864] {strides = array<i32>} : memref<512x64xf32, #tpu.memory_space<vmem>>, vector<1x16xf32>,
      %swap3A_866 = vector.shape_cast %swap3A_865 : vector<1x16xf32> to vector<16xf32>
      %swap3A_867 = vector.shape_cast %add3A_862 : vector<16xf32> to vector<1x16xf32>
      tpu.vector_store %arg21[%swap3A_863, %swap3A_864], %swap3A_867 {strides = array<i32>} : memref<512x64xf32, #tpu.memory_space<vmem>>, vector<1x16xf32>,
      %mul3A_868 = arith.mulf %broadcast_in_dim3A_853, %get3A_206 : vector<16xf32>
      %add3A_869 = arith.addf %mul3A_868, %get3A_212 : vector<16xf32>
      %swap3A_870 = arith.index_cast %add3A_847 : i32 to index
      %swap3A_871 = arith.constant 32 : index
      %swap3A_872 = tpu.vector_load %arg21[%swap3A_870, %swap3A_871] {strides = array<i32>} : memref<512x64xf32, #tpu.memory_space<vmem>>, vector<1x16xf32>,
      %swap3A_873 = vector.shape_cast %swap3A_872 : vector<1x16xf32> to vector<16xf32>
      %swap3A_874 = vector.shape_cast %add3A_869 : vector<16xf32> to vector<1x16xf32>
      tpu.vector_store %arg21[%swap3A_870, %swap3A_871], %swap3A_874 {strides = array<i32>} : memref<512x64xf32, #tpu.memory_space<vmem>>, vector<1x16xf32>,
      %mul3A_875 = arith.mulf %broadcast_in_dim3A_853, %get3A_209 : vector<16xf32>
      %add3A_876 = arith.addf %mul3A_875, %get3A_215 : vector<16xf32>
      %swap3A_877 = arith.index_cast %add3A_847 : i32 to index
      %swap3A_878 = arith.constant 48 : index
      %swap3A_879 = tpu.vector_load %arg21[%swap3A_877, %swap3A_878] {strides = array<i32>} : memref<512x64xf32, #tpu.memory_space<vmem>>, vector<1x16xf32>,
      %swap3A_880 = vector.shape_cast %swap3A_879 : vector<1x16xf32> to vector<16xf32>
      %swap3A_881 = vector.shape_cast %add3A_876 : vector<16xf32> to vector<1x16xf32>
      tpu.vector_store %arg21[%swap3A_877, %swap3A_878], %swap3A_881 {strides = array<i32>} : memref<512x64xf32, #tpu.memory_space<vmem>>, vector<1x16xf32>,
      %add3A_882 = arith.constant 14 : i32
      %add3A_883 = arith.addi %mul3A_375, %add3A_882 : i32
      %slice3A_884 = vector.extract_strided_slice %get3A_378 {offsets = [14], sizes = [1], strides = [1]} : vector<16xf32> to vector<1xf32>
      %squeeze3A_885 = vector.extract %slice3A_884[0] : f32 from vector<1xf32>
      %broadcast_in_dim3A_886 = vector.broadcast %squeeze3A_885 : f32 to vector<16xf32>
      %slice3A_887 = vector.extract_strided_slice %get3A_381 {offsets = [14], sizes = [1], strides = [1]} : vector<16xf32> to vector<1xf32>
      %squeeze3A_888 = vector.extract %slice3A_887[0] : f32 from vector<1xf32>
      %broadcast_in_dim3A_889 = vector.broadcast %squeeze3A_888 : f32 to vector<16xf32>
      %mul3A_890 = arith.mulf %broadcast_in_dim3A_886, %get3A_194 : vector<16xf32>
      %add3A_891 = arith.addf %mul3A_890, %get3A_200 : vector<16xf32>
      %swap3A_892 = arith.index_cast %add3A_883 : i32 to index
      %swap3A_893 = arith.constant 0 : index
      %swap3A_894 = tpu.vector_load %arg21[%swap3A_892, %swap3A_893] {strides = array<i32>} : memref<512x64xf32, #tpu.memory_space<vmem>>, vector<1x16xf32>,
      %swap3A_895 = vector.shape_cast %swap3A_894 : vector<1x16xf32> to vector<16xf32>
      %swap3A_896 = vector.shape_cast %add3A_891 : vector<16xf32> to vector<1x16xf32>
      tpu.vector_store %arg21[%swap3A_892, %swap3A_893], %swap3A_896 {strides = array<i32>} : memref<512x64xf32, #tpu.memory_space<vmem>>, vector<1x16xf32>,
      %mul3A_897 = arith.mulf %broadcast_in_dim3A_886, %get3A_197 : vector<16xf32>
      %add3A_898 = arith.addf %mul3A_897, %get3A_203 : vector<16xf32>
      %swap3A_899 = arith.index_cast %add3A_883 : i32 to index
      %swap3A_900 = arith.constant 16 : index
      %swap3A_901 = tpu.vector_load %arg21[%swap3A_899, %swap3A_900] {strides = array<i32>} : memref<512x64xf32, #tpu.memory_space<vmem>>, vector<1x16xf32>,
      %swap3A_902 = vector.shape_cast %swap3A_901 : vector<1x16xf32> to vector<16xf32>
      %swap3A_903 = vector.shape_cast %add3A_898 : vector<16xf32> to vector<1x16xf32>
      tpu.vector_store %arg21[%swap3A_899, %swap3A_900], %swap3A_903 {strides = array<i32>} : memref<512x64xf32, #tpu.memory_space<vmem>>, vector<1x16xf32>,
      %mul3A_904 = arith.mulf %broadcast_in_dim3A_889, %get3A_206 : vector<16xf32>
      %add3A_905 = arith.addf %mul3A_904, %get3A_212 : vector<16xf32>
      %swap3A_906 = arith.index_cast %add3A_883 : i32 to index
      %swap3A_907 = arith.constant 32 : index
      %swap3A_908 = tpu.vector_load %arg21[%swap3A_906, %swap3A_907] {strides = array<i32>} : memref<512x64xf32, #tpu.memory_space<vmem>>, vector<1x16xf32>,
      %swap3A_909 = vector.shape_cast %swap3A_908 : vector<1x16xf32> to vector<16xf32>
      %swap3A_910 = vector.shape_cast %add3A_905 : vector<16xf32> to vector<1x16xf32>
      tpu.vector_store %arg21[%swap3A_906, %swap3A_907], %swap3A_910 {strides = array<i32>} : memref<512x64xf32, #tpu.memory_space<vmem>>, vector<1x16xf32>,
      %mul3A_911 = arith.mulf %broadcast_in_dim3A_889, %get3A_209 : vector<16xf32>
      %add3A_912 = arith.addf %mul3A_911, %get3A_215 : vector<16xf32>
      %swap3A_913 = arith.index_cast %add3A_883 : i32 to index
      %swap3A_914 = arith.constant 48 : index
      %swap3A_915 = tpu.vector_load %arg21[%swap3A_913, %swap3A_914] {strides = array<i32>} : memref<512x64xf32, #tpu.memory_space<vmem>>, vector<1x16xf32>,
      %swap3A_916 = vector.shape_cast %swap3A_915 : vector<1x16xf32> to vector<16xf32>
      %swap3A_917 = vector.shape_cast %add3A_912 : vector<16xf32> to vector<1x16xf32>
      tpu.vector_store %arg21[%swap3A_913, %swap3A_914], %swap3A_917 {strides = array<i32>} : memref<512x64xf32, #tpu.memory_space<vmem>>, vector<1x16xf32>,
      %add3A_918 = arith.constant 15 : i32
      %add3A_919 = arith.addi %mul3A_375, %add3A_918 : i32
      %slice3A_920 = vector.extract_strided_slice %get3A_378 {offsets = [15], sizes = [1], strides = [1]} : vector<16xf32> to vector<1xf32>
      %squeeze3A_921 = vector.extract %slice3A_920[0] : f32 from vector<1xf32>
      %broadcast_in_dim3A_922 = vector.broadcast %squeeze3A_921 : f32 to vector<16xf32>
      %slice3A_923 = vector.extract_strided_slice %get3A_381 {offsets = [15], sizes = [1], strides = [1]} : vector<16xf32> to vector<1xf32>
      %squeeze3A_924 = vector.extract %slice3A_923[0] : f32 from vector<1xf32>
      %broadcast_in_dim3A_925 = vector.broadcast %squeeze3A_924 : f32 to vector<16xf32>
      %mul3A_926 = arith.mulf %broadcast_in_dim3A_922, %get3A_194 : vector<16xf32>
      %add3A_927 = arith.addf %mul3A_926, %get3A_200 : vector<16xf32>
      %swap3A_928 = arith.index_cast %add3A_919 : i32 to index
      %swap3A_929 = arith.constant 0 : index
      %swap3A_930 = tpu.vector_load %arg21[%swap3A_928, %swap3A_929] {strides = array<i32>} : memref<512x64xf32, #tpu.memory_space<vmem>>, vector<1x16xf32>,
      %swap3A_931 = vector.shape_cast %swap3A_930 : vector<1x16xf32> to vector<16xf32>
      %swap3A_932 = vector.shape_cast %add3A_927 : vector<16xf32> to vector<1x16xf32>
      tpu.vector_store %arg21[%swap3A_928, %swap3A_929], %swap3A_932 {strides = array<i32>} : memref<512x64xf32, #tpu.memory_space<vmem>>, vector<1x16xf32>,
      %mul3A_933 = arith.mulf %broadcast_in_dim3A_922, %get3A_197 : vector<16xf32>
      %add3A_934 = arith.addf %mul3A_933, %get3A_203 : vector<16xf32>
      %swap3A_935 = arith.index_cast %add3A_919 : i32 to index
      %swap3A_936 = arith.constant 16 : index
      %swap3A_937 = tpu.vector_load %arg21[%swap3A_935, %swap3A_936] {strides = array<i32>} : memref<512x64xf32, #tpu.memory_space<vmem>>, vector<1x16xf32>,
      %swap3A_938 = vector.shape_cast %swap3A_937 : vector<1x16xf32> to vector<16xf32>
      %swap3A_939 = vector.shape_cast %add3A_934 : vector<16xf32> to vector<1x16xf32>
      tpu.vector_store %arg21[%swap3A_935, %swap3A_936], %swap3A_939 {strides = array<i32>} : memref<512x64xf32, #tpu.memory_space<vmem>>, vector<1x16xf32>,
      %mul3A_940 = arith.mulf %broadcast_in_dim3A_925, %get3A_206 : vector<16xf32>
      %add3A_941 = arith.addf %mul3A_940, %get3A_212 : vector<16xf32>
      %swap3A_942 = arith.index_cast %add3A_919 : i32 to index
      %swap3A_943 = arith.constant 32 : index
      %swap3A_944 = tpu.vector_load %arg21[%swap3A_942, %swap3A_943] {strides = array<i32>} : memref<512x64xf32, #tpu.memory_space<vmem>>, vector<1x16xf32>,
      %swap3A_945 = vector.shape_cast %swap3A_944 : vector<1x16xf32> to vector<16xf32>
      %swap3A_946 = vector.shape_cast %add3A_941 : vector<16xf32> to vector<1x16xf32>
      tpu.vector_store %arg21[%swap3A_942, %swap3A_943], %swap3A_946 {strides = array<i32>} : memref<512x64xf32, #tpu.memory_space<vmem>>, vector<1x16xf32>,
      %mul3A_947 = arith.mulf %broadcast_in_dim3A_925, %get3A_209 : vector<16xf32>
      %add3A_948 = arith.addf %mul3A_947, %get3A_215 : vector<16xf32>
      %swap3A_949 = arith.index_cast %add3A_919 : i32 to index
      %swap3A_950 = arith.constant 48 : index
      %swap3A_951 = tpu.vector_load %arg21[%swap3A_949, %swap3A_950] {strides = array<i32>} : memref<512x64xf32, #tpu.memory_space<vmem>>, vector<1x16xf32>,
      %swap3A_952 = vector.shape_cast %swap3A_951 : vector<1x16xf32> to vector<16xf32>
      %swap3A_953 = vector.shape_cast %add3A_948 : vector<16xf32> to vector<1x16xf32>
      tpu.vector_store %arg21[%swap3A_949, %swap3A_950], %swap3A_953 {strides = array<i32>} : memref<512x64xf32, #tpu.memory_space<vmem>>, vector<1x16xf32>,
    }
    %scan3A_220 = arith.constant 32 : i32
    %dma_start3A_221 = arith.constant 0 : i32
    %dma_start3A_222 = tpu.memref_slice %arg11[%mul3A_2, %dma_start3A_221] : memref<16384x128xf32, #tpu.memory_space<hbm>> -> memref<512x64xf32, #tpu.memory_space<hbm>>
    %dma_start3A_223 = arith.constant 0 : i32
    %dma_start3A_224 = tpu.memref_slice %arg11[%mul3A_2, %dma_start3A_223] : memref<16384x128xf32, #tpu.memory_space<hbm>> -> memref<512x64xf32, #tpu.memory_space<hbm>>
    tpu.enqueue_dma source(%arg21 : memref<512x64xf32, #tpu.memory_space<vmem>>) target(%dma_start3A_224 : memref<512x64xf32, #tpu.memory_space<hbm>>) target_semaphore(%arg23 : memref<!tpu.dma_semaphore, #tpu.memory_space<semaphore_mem>>)
    %dma_wait3A_225 = arith.constant 0 : i32
    %dma_wait3A_226 = arith.constant 0 : i32
    %dma_wait3A_227 = arith.constant 0 : i32
    %dma_wait3A_228 = tpu.memref_slice %arg18[%dma_wait3A_226, %dma_wait3A_227] : memref<512x32xf32, #tpu.memory_space<vmem>> -> memref<128x32xf32, #tpu.memory_space<vmem>>
    %dma_wait3A_229 = arith.constant 0 : i32
    %dma_wait3A_230 = tpu.memref_slice %arg12[%dma_wait3A_225, %dma_wait3A_229] : memref<4x128xi32, #tpu.memory_space<vmem>> -> memref<1x128xi32, #tpu.memory_space<vmem>>
    %dma_wait3A_231 = tpu.memref_squeeze %dma_wait3A_230 : memref<1x128xi32, #tpu.memory_space<vmem>> -> memref<128xi32, #tpu.memory_space<vmem>>
    %dma_wait3A_232 = arith.constant 0 : i32
    %dma_wait3A_233 = arith.constant 0 : i32
    %dma_wait3A_234 = tpu.memref_slice %arg8[%dma_wait3A_232, %dma_wait3A_233] : memref<1000x32xf32, #tpu.memory_space<hbm>> -> memref<1000x32xf32, #tpu.memory_space<hbm>>
    tpu.wait_indirect_dma semaphore(%arg22 : memref<!tpu.dma_semaphore, #tpu.memory_space<semaphore_mem>>) src(%dma_wait3A_234 : memref<1000x32xf32, #tpu.memory_space<hbm>>) dst(%dma_wait3A_228 : memref<128x32xf32, #tpu.memory_space<vmem>>)
    %dma_wait3A_235 = arith.constant 0 : i32
    %dma_wait3A_236 = arith.constant 0 : i32
    %dma_wait3A_237 = arith.constant 0 : i32
    %dma_wait3A_238 = tpu.memref_slice %arg19[%dma_wait3A_236, %dma_wait3A_237] : memref<512x16xf32, #tpu.memory_space<vmem>> -> memref<128x16xf32, #tpu.memory_space<vmem>>
    %dma_wait3A_239 = arith.constant 0 : i32
    %dma_wait3A_240 = tpu.memref_slice %arg13[%dma_wait3A_235, %dma_wait3A_239] : memref<4x128xi32, #tpu.memory_space<vmem>> -> memref<1x128xi32, #tpu.memory_space<vmem>>
    %dma_wait3A_241 = tpu.memref_squeeze %dma_wait3A_240 : memref<1x128xi32, #tpu.memory_space<vmem>> -> memref<128xi32, #tpu.memory_space<vmem>>
    %dma_wait3A_242 = arith.constant 0 : i32
    %dma_wait3A_243 = arith.constant 0 : i32
    %dma_wait3A_244 = tpu.memref_slice %arg9[%dma_wait3A_242, %dma_wait3A_243] : memref<1000x16xf32, #tpu.memory_space<hbm>> -> memref<1000x16xf32, #tpu.memory_space<hbm>>
    tpu.wait_indirect_dma semaphore(%arg22 : memref<!tpu.dma_semaphore, #tpu.memory_space<semaphore_mem>>) src(%dma_wait3A_244 : memref<1000x16xf32, #tpu.memory_space<hbm>>) dst(%dma_wait3A_238 : memref<128x16xf32, #tpu.memory_space<vmem>>)
    %dma_wait3A_245 = arith.constant 0 : i32
    %dma_wait3A_246 = arith.constant 0 : i32
    %dma_wait3A_247 = arith.constant 0 : i32
    %dma_wait3A_248 = tpu.memref_slice %arg20[%dma_wait3A_246, %dma_wait3A_247] : memref<512x16xf32, #tpu.memory_space<vmem>> -> memref<128x16xf32, #tpu.memory_space<vmem>>
    %dma_wait3A_249 = arith.constant 0 : i32
    %dma_wait3A_250 = tpu.memref_slice %arg14[%dma_wait3A_245, %dma_wait3A_249] : memref<4x128xi32, #tpu.memory_space<vmem>> -> memref<1x128xi32, #tpu.memory_space<vmem>>
    %dma_wait3A_251 = tpu.memref_squeeze %dma_wait3A_250 : memref<1x128xi32, #tpu.memory_space<vmem>> -> memref<128xi32, #tpu.memory_space<vmem>>
    %dma_wait3A_252 = arith.constant 0 : i32
    %dma_wait3A_253 = arith.constant 0 : i32
    %dma_wait3A_254 = tpu.memref_slice %arg10[%dma_wait3A_252, %dma_wait3A_253] : memref<100000x16xf32, #tpu.memory_space<hbm>> -> memref<100000x16xf32, #tpu.memory_space<hbm>>
    tpu.wait_indirect_dma semaphore(%arg22 : memref<!tpu.dma_semaphore, #tpu.memory_space<semaphore_mem>>) src(%dma_wait3A_254 : memref<100000x16xf32, #tpu.memory_space<hbm>>) dst(%dma_wait3A_248 : memref<128x16xf32, #tpu.memory_space<vmem>>)
    %dma_wait3A_255 = arith.constant 1 : i32
    %dma_wait3A_256 = arith.constant 128 : i32
    %dma_wait3A_257 = arith.constant 0 : i32
    %dma_wait3A_258 = tpu.memref_slice %arg18[%dma_wait3A_256, %dma_wait3A_257] : memref<512x32xf32, #tpu.memory_space<vmem>> -> memref<128x32xf32, #tpu.memory_space<vmem>>
    %dma_wait3A_259 = arith.constant 0 : i32
    %dma_wait3A_260 = tpu.memref_slice %arg12[%dma_wait3A_255, %dma_wait3A_259] : memref<4x128xi32, #tpu.memory_space<vmem>> -> memref<1x128xi32, #tpu.memory_space<vmem>>
    %dma_wait3A_261 = tpu.memref_squeeze %dma_wait3A_260 : memref<1x128xi32, #tpu.memory_space<vmem>> -> memref<128xi32, #tpu.memory_space<vmem>>
    %dma_wait3A_262 = arith.constant 0 : i32
    %dma_wait3A_263 = arith.constant 0 : i32
    %dma_wait3A_264 = tpu.memref_slice %arg8[%dma_wait3A_262, %dma_wait3A_263] : memref<1000x32xf32, #tpu.memory_space<hbm>> -> memref<1000x32xf32, #tpu.memory_space<hbm>>
    tpu.wait_indirect_dma semaphore(%arg22 : memref<!tpu.dma_semaphore, #tpu.memory_space<semaphore_mem>>) src(%dma_wait3A_264 : memref<1000x32xf32, #tpu.memory_space<hbm>>) dst(%dma_wait3A_258 : memref<128x32xf32, #tpu.memory_space<vmem>>)
    %dma_wait3A_265 = arith.constant 1 : i32
    %dma_wait3A_266 = arith.constant 128 : i32
    %dma_wait3A_267 = arith.constant 0 : i32
    %dma_wait3A_268 = tpu.memref_slice %arg19[%dma_wait3A_266, %dma_wait3A_267] : memref<512x16xf32, #tpu.memory_space<vmem>> -> memref<128x16xf32, #tpu.memory_space<vmem>>
    %dma_wait3A_269 = arith.constant 0 : i32
    %dma_wait3A_270 = tpu.memref_slice %arg13[%dma_wait3A_265, %dma_wait3A_269] : memref<4x128xi32, #tpu.memory_space<vmem>> -> memref<1x128xi32, #tpu.memory_space<vmem>>
    %dma_wait3A_271 = tpu.memref_squeeze %dma_wait3A_270 : memref<1x128xi32, #tpu.memory_space<vmem>> -> memref<128xi32, #tpu.memory_space<vmem>>
    %dma_wait3A_272 = arith.constant 0 : i32
    %dma_wait3A_273 = arith.constant 0 : i32
    %dma_wait3A_274 = tpu.memref_slice %arg9[%dma_wait3A_272, %dma_wait3A_273] : memref<1000x16xf32, #tpu.memory_space<hbm>> -> memref<1000x16xf32, #tpu.memory_space<hbm>>
    tpu.wait_indirect_dma semaphore(%arg22 : memref<!tpu.dma_semaphore, #tpu.memory_space<semaphore_mem>>) src(%dma_wait3A_274 : memref<1000x16xf32, #tpu.memory_space<hbm>>) dst(%dma_wait3A_268 : memref<128x16xf32, #tpu.memory_space<vmem>>)
    %dma_wait3A_275 = arith.constant 1 : i32
    %dma_wait3A_276 = arith.constant 128 : i32
    %dma_wait3A_277 = arith.constant 0 : i32
    %dma_wait3A_278 = tpu.memref_slice %arg20[%dma_wait3A_276, %dma_wait3A_277] : memref<512x16xf32, #tpu.memory_space<vmem>> -> memref<128x16xf32, #tpu.memory_space<vmem>>
    %dma_wait3A_279 = arith.constant 0 : i32
    %dma_wait3A_280 = tpu.memref_slice %arg14[%dma_wait3A_275, %dma_wait3A_279] : memref<4x128xi32, #tpu.memory_space<vmem>> -> memref<1x128xi32, #tpu.memory_space<vmem>>
    %dma_wait3A_281 = tpu.memref_squeeze %dma_wait3A_280 : memref<1x128xi32, #tpu.memory_space<vmem>> -> memref<128xi32, #tpu.memory_space<vmem>>
    %dma_wait3A_282 = arith.constant 0 : i32
    %dma_wait3A_283 = arith.constant 0 : i32
    %dma_wait3A_284 = tpu.memref_slice %arg10[%dma_wait3A_282, %dma_wait3A_283] : memref<100000x16xf32, #tpu.memory_space<hbm>> -> memref<100000x16xf32, #tpu.memory_space<hbm>>
    tpu.wait_indirect_dma semaphore(%arg22 : memref<!tpu.dma_semaphore, #tpu.memory_space<semaphore_mem>>) src(%dma_wait3A_284 : memref<100000x16xf32, #tpu.memory_space<hbm>>) dst(%dma_wait3A_278 : memref<128x16xf32, #tpu.memory_space<vmem>>)
    %dma_wait3A_285 = arith.constant 2 : i32
    %dma_wait3A_286 = arith.constant 256 : i32
    %dma_wait3A_287 = arith.constant 0 : i32
    %dma_wait3A_288 = tpu.memref_slice %arg18[%dma_wait3A_286, %dma_wait3A_287] : memref<512x32xf32, #tpu.memory_space<vmem>> -> memref<128x32xf32, #tpu.memory_space<vmem>>
    %dma_wait3A_289 = arith.constant 0 : i32
    %dma_wait3A_290 = tpu.memref_slice %arg12[%dma_wait3A_285, %dma_wait3A_289] : memref<4x128xi32, #tpu.memory_space<vmem>> -> memref<1x128xi32, #tpu.memory_space<vmem>>
    %dma_wait3A_291 = tpu.memref_squeeze %dma_wait3A_290 : memref<1x128xi32, #tpu.memory_space<vmem>> -> memref<128xi32, #tpu.memory_space<vmem>>
    %dma_wait3A_292 = arith.constant 0 : i32
    %dma_wait3A_293 = arith.constant 0 : i32
    %dma_wait3A_294 = tpu.memref_slice %arg8[%dma_wait3A_292, %dma_wait3A_293] : memref<1000x32xf32, #tpu.memory_space<hbm>> -> memref<1000x32xf32, #tpu.memory_space<hbm>>
    tpu.wait_indirect_dma semaphore(%arg22 : memref<!tpu.dma_semaphore, #tpu.memory_space<semaphore_mem>>) src(%dma_wait3A_294 : memref<1000x32xf32, #tpu.memory_space<hbm>>) dst(%dma_wait3A_288 : memref<128x32xf32, #tpu.memory_space<vmem>>)
    %dma_wait3A_295 = arith.constant 2 : i32
    %dma_wait3A_296 = arith.constant 256 : i32
    %dma_wait3A_297 = arith.constant 0 : i32
    %dma_wait3A_298 = tpu.memref_slice %arg19[%dma_wait3A_296, %dma_wait3A_297] : memref<512x16xf32, #tpu.memory_space<vmem>> -> memref<128x16xf32, #tpu.memory_space<vmem>>
    %dma_wait3A_299 = arith.constant 0 : i32
    %dma_wait3A_300 = tpu.memref_slice %arg13[%dma_wait3A_295, %dma_wait3A_299] : memref<4x128xi32, #tpu.memory_space<vmem>> -> memref<1x128xi32, #tpu.memory_space<vmem>>
    %dma_wait3A_301 = tpu.memref_squeeze %dma_wait3A_300 : memref<1x128xi32, #tpu.memory_space<vmem>> -> memref<128xi32, #tpu.memory_space<vmem>>
    %dma_wait3A_302 = arith.constant 0 : i32
    %dma_wait3A_303 = arith.constant 0 : i32
    %dma_wait3A_304 = tpu.memref_slice %arg9[%dma_wait3A_302, %dma_wait3A_303] : memref<1000x16xf32, #tpu.memory_space<hbm>> -> memref<1000x16xf32, #tpu.memory_space<hbm>>
    tpu.wait_indirect_dma semaphore(%arg22 : memref<!tpu.dma_semaphore, #tpu.memory_space<semaphore_mem>>) src(%dma_wait3A_304 : memref<1000x16xf32, #tpu.memory_space<hbm>>) dst(%dma_wait3A_298 : memref<128x16xf32, #tpu.memory_space<vmem>>)
    %dma_wait3A_305 = arith.constant 2 : i32
    %dma_wait3A_306 = arith.constant 256 : i32
    %dma_wait3A_307 = arith.constant 0 : i32
    %dma_wait3A_308 = tpu.memref_slice %arg20[%dma_wait3A_306, %dma_wait3A_307] : memref<512x16xf32, #tpu.memory_space<vmem>> -> memref<128x16xf32, #tpu.memory_space<vmem>>
    %dma_wait3A_309 = arith.constant 0 : i32
    %dma_wait3A_310 = tpu.memref_slice %arg14[%dma_wait3A_305, %dma_wait3A_309] : memref<4x128xi32, #tpu.memory_space<vmem>> -> memref<1x128xi32, #tpu.memory_space<vmem>>
    %dma_wait3A_311 = tpu.memref_squeeze %dma_wait3A_310 : memref<1x128xi32, #tpu.memory_space<vmem>> -> memref<128xi32, #tpu.memory_space<vmem>>
    %dma_wait3A_312 = arith.constant 0 : i32
    %dma_wait3A_313 = arith.constant 0 : i32
    %dma_wait3A_314 = tpu.memref_slice %arg10[%dma_wait3A_312, %dma_wait3A_313] : memref<100000x16xf32, #tpu.memory_space<hbm>> -> memref<100000x16xf32, #tpu.memory_space<hbm>>
    tpu.wait_indirect_dma semaphore(%arg22 : memref<!tpu.dma_semaphore, #tpu.memory_space<semaphore_mem>>) src(%dma_wait3A_314 : memref<100000x16xf32, #tpu.memory_space<hbm>>) dst(%dma_wait3A_308 : memref<128x16xf32, #tpu.memory_space<vmem>>)
    %dma_wait3A_315 = arith.constant 3 : i32
    %dma_wait3A_316 = arith.constant 384 : i32
    %dma_wait3A_317 = arith.constant 0 : i32
    %dma_wait3A_318 = tpu.memref_slice %arg18[%dma_wait3A_316, %dma_wait3A_317] : memref<512x32xf32, #tpu.memory_space<vmem>> -> memref<128x32xf32, #tpu.memory_space<vmem>>
    %dma_wait3A_319 = arith.constant 0 : i32
    %dma_wait3A_320 = tpu.memref_slice %arg12[%dma_wait3A_315, %dma_wait3A_319] : memref<4x128xi32, #tpu.memory_space<vmem>> -> memref<1x128xi32, #tpu.memory_space<vmem>>
    %dma_wait3A_321 = tpu.memref_squeeze %dma_wait3A_320 : memref<1x128xi32, #tpu.memory_space<vmem>> -> memref<128xi32, #tpu.memory_space<vmem>>
    %dma_wait3A_322 = arith.constant 0 : i32
    %dma_wait3A_323 = arith.constant 0 : i32
    %dma_wait3A_324 = tpu.memref_slice %arg8[%dma_wait3A_322, %dma_wait3A_323] : memref<1000x32xf32, #tpu.memory_space<hbm>> -> memref<1000x32xf32, #tpu.memory_space<hbm>>
    tpu.wait_indirect_dma semaphore(%arg22 : memref<!tpu.dma_semaphore, #tpu.memory_space<semaphore_mem>>) src(%dma_wait3A_324 : memref<1000x32xf32, #tpu.memory_space<hbm>>) dst(%dma_wait3A_318 : memref<128x32xf32, #tpu.memory_space<vmem>>)
    %dma_wait3A_325 = arith.constant 3 : i32
    %dma_wait3A_326 = arith.constant 384 : i32
    %dma_wait3A_327 = arith.constant 0 : i32
    %dma_wait3A_328 = tpu.memref_slice %arg19[%dma_wait3A_326, %dma_wait3A_327] : memref<512x16xf32, #tpu.memory_space<vmem>> -> memref<128x16xf32, #tpu.memory_space<vmem>>
    %dma_wait3A_329 = arith.constant 0 : i32
    %dma_wait3A_330 = tpu.memref_slice %arg13[%dma_wait3A_325, %dma_wait3A_329] : memref<4x128xi32, #tpu.memory_space<vmem>> -> memref<1x128xi32, #tpu.memory_space<vmem>>
    %dma_wait3A_331 = tpu.memref_squeeze %dma_wait3A_330 : memref<1x128xi32, #tpu.memory_space<vmem>> -> memref<128xi32, #tpu.memory_space<vmem>>
    %dma_wait3A_332 = arith.constant 0 : i32
    %dma_wait3A_333 = arith.constant 0 : i32
    %dma_wait3A_334 = tpu.memref_slice %arg9[%dma_wait3A_332, %dma_wait3A_333] : memref<1000x16xf32, #tpu.memory_space<hbm>> -> memref<1000x16xf32, #tpu.memory_space<hbm>>
    tpu.wait_indirect_dma semaphore(%arg22 : memref<!tpu.dma_semaphore, #tpu.memory_space<semaphore_mem>>) src(%dma_wait3A_334 : memref<1000x16xf32, #tpu.memory_space<hbm>>) dst(%dma_wait3A_328 : memref<128x16xf32, #tpu.memory_space<vmem>>)
    %dma_wait3A_335 = arith.constant 3 : i32
    %dma_wait3A_336 = arith.constant 384 : i32
    %dma_wait3A_337 = arith.constant 0 : i32
    %dma_wait3A_338 = tpu.memref_slice %arg20[%dma_wait3A_336, %dma_wait3A_337] : memref<512x16xf32, #tpu.memory_space<vmem>> -> memref<128x16xf32, #tpu.memory_space<vmem>>
    %dma_wait3A_339 = arith.constant 0 : i32
    %dma_wait3A_340 = tpu.memref_slice %arg14[%dma_wait3A_335, %dma_wait3A_339] : memref<4x128xi32, #tpu.memory_space<vmem>> -> memref<1x128xi32, #tpu.memory_space<vmem>>
    %dma_wait3A_341 = tpu.memref_squeeze %dma_wait3A_340 : memref<1x128xi32, #tpu.memory_space<vmem>> -> memref<128xi32, #tpu.memory_space<vmem>>
    %dma_wait3A_342 = arith.constant 0 : i32
    %dma_wait3A_343 = arith.constant 0 : i32
    %dma_wait3A_344 = tpu.memref_slice %arg10[%dma_wait3A_342, %dma_wait3A_343] : memref<100000x16xf32, #tpu.memory_space<hbm>> -> memref<100000x16xf32, #tpu.memory_space<hbm>>
    tpu.wait_indirect_dma semaphore(%arg22 : memref<!tpu.dma_semaphore, #tpu.memory_space<semaphore_mem>>) src(%dma_wait3A_344 : memref<100000x16xf32, #tpu.memory_space<hbm>>) dst(%dma_wait3A_338 : memref<128x16xf32, #tpu.memory_space<vmem>>)
    %dma_start3A_345 = arith.constant 64 : i32
    %dma_start3A_346 = tpu.memref_slice %arg11[%mul3A_2, %dma_start3A_345] : memref<16384x128xf32, #tpu.memory_space<hbm>> -> memref<512x32xf32, #tpu.memory_space<hbm>>
    %dma_start3A_347 = arith.constant 64 : i32
    %dma_start3A_348 = tpu.memref_slice %arg11[%mul3A_2, %dma_start3A_347] : memref<16384x128xf32, #tpu.memory_space<hbm>> -> memref<512x32xf32, #tpu.memory_space<hbm>>
    tpu.enqueue_dma source(%arg18 : memref<512x32xf32, #tpu.memory_space<vmem>>) target(%dma_start3A_348 : memref<512x32xf32, #tpu.memory_space<hbm>>) target_semaphore(%arg23 : memref<!tpu.dma_semaphore, #tpu.memory_space<semaphore_mem>>)
    %dma_start3A_349 = arith.constant 96 : i32
    %dma_start3A_350 = tpu.memref_slice %arg11[%mul3A_2, %dma_start3A_349] : memref<16384x128xf32, #tpu.memory_space<hbm>> -> memref<512x16xf32, #tpu.memory_space<hbm>>
    %dma_start3A_351 = arith.constant 96 : i32
    %dma_start3A_352 = tpu.memref_slice %arg11[%mul3A_2, %dma_start3A_351] : memref<16384x128xf32, #tpu.memory_space<hbm>> -> memref<512x16xf32, #tpu.memory_space<hbm>>
    tpu.enqueue_dma source(%arg19 : memref<512x16xf32, #tpu.memory_space<vmem>>) target(%dma_start3A_352 : memref<512x16xf32, #tpu.memory_space<hbm>>) target_semaphore(%arg23 : memref<!tpu.dma_semaphore, #tpu.memory_space<semaphore_mem>>)
    %dma_start3A_353 = arith.constant 112 : i32
    %dma_start3A_354 = tpu.memref_slice %arg11[%mul3A_2, %dma_start3A_353] : memref<16384x128xf32, #tpu.memory_space<hbm>> -> memref<512x16xf32, #tpu.memory_space<hbm>>
    %dma_start3A_355 = arith.constant 112 : i32
    %dma_start3A_356 = tpu.memref_slice %arg11[%mul3A_2, %dma_start3A_355] : memref<16384x128xf32, #tpu.memory_space<hbm>> -> memref<512x16xf32, #tpu.memory_space<hbm>>
    tpu.enqueue_dma source(%arg20 : memref<512x16xf32, #tpu.memory_space<vmem>>) target(%dma_start3A_356 : memref<512x16xf32, #tpu.memory_space<hbm>>) target_semaphore(%arg23 : memref<!tpu.dma_semaphore, #tpu.memory_space<semaphore_mem>>)
    %dma_wait3A_357 = arith.constant 0 : i32
    %dma_wait3A_358 = tpu.memref_slice %arg11[%mul3A_2, %dma_wait3A_357] : memref<16384x128xf32, #tpu.memory_space<hbm>> -> memref<512x64xf32, #tpu.memory_space<hbm>>
    %dma_wait3A_359 = arith.constant 0 : i32
    %dma_wait3A_360 = tpu.memref_slice %arg11[%mul3A_2, %dma_wait3A_359] : memref<16384x128xf32, #tpu.memory_space<hbm>> -> memref<512x64xf32, #tpu.memory_space<hbm>>
    tpu.wait_dma2 semaphore(%arg23 : memref<!tpu.dma_semaphore, #tpu.memory_space<semaphore_mem>>) src(%arg21 : memref<512x64xf32, #tpu.memory_space<vmem>>) dst(%dma_wait3A_360 : memref<512x64xf32, #tpu.memory_space<hbm>>)
    %dma_wait3A_361 = arith.constant 64 : i32
    %dma_wait3A_362 = tpu.memref_slice %arg11[%mul3A_2, %dma_wait3A_361] : memref<16384x128xf32, #tpu.memory_space<hbm>> -> memref<512x32xf32, #tpu.memory_space<hbm>>
    %dma_wait3A_363 = arith.constant 64 : i32
    %dma_wait3A_364 = tpu.memref_slice %arg11[%mul3A_2, %dma_wait3A_363] : memref<16384x128xf32, #tpu.memory_space<hbm>> -> memref<512x32xf32, #tpu.memory_space<hbm>>
    tpu.wait_dma2 semaphore(%arg23 : memref<!tpu.dma_semaphore, #tpu.memory_space<semaphore_mem>>) src(%arg18 : memref<512x32xf32, #tpu.memory_space<vmem>>) dst(%dma_wait3A_364 : memref<512x32xf32, #tpu.memory_space<hbm>>)
    %dma_wait3A_365 = arith.constant 96 : i32
    %dma_wait3A_366 = tpu.memref_slice %arg11[%mul3A_2, %dma_wait3A_365] : memref<16384x128xf32, #tpu.memory_space<hbm>> -> memref<512x16xf32, #tpu.memory_space<hbm>>
    %dma_wait3A_367 = arith.constant 96 : i32
    %dma_wait3A_368 = tpu.memref_slice %arg11[%mul3A_2, %dma_wait3A_367] : memref<16384x128xf32, #tpu.memory_space<hbm>> -> memref<512x16xf32, #tpu.memory_space<hbm>>
    tpu.wait_dma2 semaphore(%arg23 : memref<!tpu.dma_semaphore, #tpu.memory_space<semaphore_mem>>) src(%arg19 : memref<512x16xf32, #tpu.memory_space<vmem>>) dst(%dma_wait3A_368 : memref<512x16xf32, #tpu.memory_space<hbm>>)
    %dma_wait3A_369 = arith.constant 112 : i32
    %dma_wait3A_370 = tpu.memref_slice %arg11[%mul3A_2, %dma_wait3A_369] : memref<16384x128xf32, #tpu.memory_space<hbm>> -> memref<512x16xf32, #tpu.memory_space<hbm>>
    %dma_wait3A_371 = arith.constant 112 : i32
    %dma_wait3A_372 = tpu.memref_slice %arg11[%mul3A_2, %dma_wait3A_371] : memref<16384x128xf32, #tpu.memory_space<hbm>> -> memref<512x16xf32, #tpu.memory_space<hbm>>
    tpu.wait_dma2 semaphore(%arg23 : memref<!tpu.dma_semaphore, #tpu.memory_space<semaphore_mem>>) src(%arg20 : memref<512x16xf32, #tpu.memory_space<vmem>>) dst(%dma_wait3A_372 : memref<512x16xf32, #tpu.memory_space<hbm>>)
    return
  }
}

</mosaic_0001>

<sc_bundles>
// kernel: kernel.3.cloned.1.call-start
scs
__scs_entry_jumppad:
0x0: {  	(pc) =	sbr.rel $0x88, $3  }
0x1: {  	(tag) =	ssettag $0x0;
	lr =	simm.s32 $0x1  }
0x2: {  	[smem:$0x3F95] =	sst lr;
	_ =	strace $0xD0000000  }
0x3: {  	_ = 	snop  }
0x4: {  	_ = 	snop  }
0x5: {  	_ = 	snop  }
0x6: {  	_ = 	snop  }
0x7: {  	_ = 	snop  }
__scs_overlays_trampoline_lowered:
0x8: {  	[smem:$0x3FA4] =	sst s0  }
0x9: {  	[smem:$0x3FA5] =	sst s1  }
0xa: {  	[smem:$0x3FA6] =	sst s2  }
0xb: {  	[smem:$0x3FA7] =	sst s3  }
0xc: {  	[smem:$0x3FA8] =	sst s4  }
0xd: {  	[smem:$0x3FA9] =	sst s5  }
0xe: {  	[smem:$0x3FAA] =	sst s6  }
0xf: {  	[smem:$0x3FAB] =	sst s7  }
0x10: {  	[smem:$0x3FAC] =	sst s8  }
0x11: {  	[smem:$0x3FAD] =	sst s9;
	s0 =	simm.s32 @!p0 $0x0  }
0x12: {  	s1 =	sld [smem:$0x3F93];
	s0 =	simm.s32 @p0 $0x1  }
0x13: {  	[smem:$0x3FAE] =	sst s0;
	s0 =	simm.s32 @!p1 $0x0  }
0x14: {  	s2 =	sld [smem:$0x3F92];
	s0 =	simm.s32 @p1 $0x1  }
0x15: {  	[smem:$0x3FAF] =	sst s0;
	s0 =	simm.s32 @!p2 $0x0  }
0x16: {  	s3 =	sld [smem:$0x3FDB];
	s0 =	simm.s32 @p2 $0x1  }
0x17: {  	s4 =	simm.s32 $0x1BF5;
	[smem:$0x3FB1] =	sst s0  }
0x18: {  	s0 =	sld [smem:$0x3F94];
	_ =	swait.ge [sflag:s4], $0x0  }
0x19: {  	s7 =	sld [smem:$0x3F95]  }
0x1a: {  	s8 =	sadd.s32 $0xFFFFE003, lr  }
0x1b: {  	s9 =	sadd.s32 $0xFFFFFEF7, lr;
	s5 =	simm.s32 $0xFFFFFFFF;
	p2 =	slt.u32 s8, $0xFFFFF086  }
0x1c: {  	p1 =	slt.u32 s9, $0xF7A;
	s5 =	simm.s32 @!p2 $0x0  }
0x1d: {  	s5 =	simm.s32 @p1 $0x1;
	p0 =	seq.s32 s7, s2  }
0x1e: {  	s7 =	smul.u32 @!p0 $0xF7A, s2;
	p2 =	seq.s32 @!p0 s5, $0x0  }
0x1f: {  	s9 =	smul.u32 $0xF7A, s1;
	s8 =	simm.s32 @!p0 $0x1BF5;
	p2 =	por !p2, p0  }
0x20: {  	[sflag:s8] =	ssyncset.s32 @!p0 $0xFFFFF086;
	s6 =	sadd.s32 @!p0 s3, s7;
	s7 =	simm.s32 @!p0 $0x108  }
0x21: {  	s3 =	sadd.s32 s3, s9;
	s6 =	sadd.s32 @!p0 $0x88, s6;
	s7 =	simm.s32 @p2 $0x1082  }
0x22: {  	[simem:s7], [sflag:s8] =	dma.local @!p0 [hbm:s6], $0xF7A  }
0x23: {  	s9 =	sor.u32 $0xD0000000, s2;
	s6 =	simm.s32 $0x108;
	_ =	swait.ge @!p0 [sflag:s8], $0x0  }
0x24: {  	s3 =	sadd.s32 $0x88, s3;
	s6 =	simm.s32 @!p1 $0x1082;
	[sflag:s4] =	ssyncset.s32 $0xFFFFF086  }
0x25: {  	[simem:s6], [sflag:s4] =	dma.local [hbm:s3], $0xF7A  }
0x26: {  	[smem:$0x3F95] =	sst s1;
	(tag) =	ssettag s2;
	_ =	strace s9  }
0x27: {  	s1 =	sld [smem:$0x3FA5]  }
0x28: {  	s2 =	sld [smem:$0x3FA6]  }
0x29: {  	s4 =	sld [smem:$0x3FA8]  }
0x2a: {  	p0 =	seq.s32 s5, $0x0;
	s5 =	sld [smem:$0x3FA9]  }
0x2b: {  	s6 =	sld [smem:$0x3FAA]  }
0x2c: {  	s7 =	sld [smem:$0x3FAB]  }
0x2d: {  	s3 =	simm.s32 $0x108;
	s8 =	sld [smem:$0x3FAC]  }
0x2e: {  	s3 =	simm.s32 @!p0 $0x1082;
	s9 =	sld [smem:$0x3FAD]  }
0x2f: {  	lr =	sadd.s32 s0, s3;
	s0 =	sld [smem:$0x3FA4]  }
0x30: {  	s3 =	sld [smem:$0x3FA7]  }
0x31: {  	[smem:$0x3FB0] =	sst s10  }
0x32: {  	s10 =	sld [smem:$0x3FAE];
	_ =	sdelay $0x3  }
0x33: {  	p0 =	seq.s32 s10, $0x1;
	s10 =	sld [smem:$0x3FB0];
	_ =	sdelay $0x3  }
0x34: {  	[smem:$0x3FB0] =	sst s10  }
0x35: {  	s10 =	sld [smem:$0x3FAF];
	_ =	sdelay $0x3  }
0x36: {  	p1 =	seq.s32 s10, $0x1;
	s10 =	sld [smem:$0x3FB0];
	_ =	sdelay $0x3  }
0x37: {  	[smem:$0x3FB0] =	sst s10  }
0x38: {  	s10 =	sld [smem:$0x3FB1]  }
0x39: {  	_ = 	snop;
	(pc) =	sbr.ind lr, $3  }
0x3a: {  	_ = 	snop  }
0x3b: {  	_ = 	snop  }
0x3c: {  	p2 =	seq.s32 s10, $0x1;
	s10 =	sld [smem:$0x3FB0]  }
0x3d: {  	_ =	shalt  }
0x3e: {  	_ =	shalt  }
0x3f: {  	_ =	shalt  }
0x40: {  	_ =	shalt  }
0x41: {  	_ =	shalt  }
0x42: {  	_ =	shalt  }
0x43: {  	_ =	shalt  }
0x44: {  	_ =	shalt  }
0x45: {  	_ =	shalt  }
0x46: {  	_ =	shalt  }
0x47: {  	_ =	shalt  }
0x48: {  	_ =	shalt  }
0x49: {  	_ =	shalt  }
0x4a: {  	_ =	shalt  }
0x4b: {  	_ =	shalt  }
0x4c: {  	_ =	shalt  }
0x4d: {  	_ =	shalt  }
0x4e: {  	_ =	shalt  }
0x4f: {  	_ =	shalt  }
0x50: {  	_ =	shalt  }
0x51: {  	_ =	shalt  }
0x52: {  	_ =	shalt  }
0x53: {  	_ =	shalt  }
0x54: {  	_ =	shalt  }
0x55: {  	_ =	shalt  }
0x56: {  	_ =	shalt  }
0x57: {  	_ =	shalt  }
0x58: {  	_ =	shalt  }
0x59: {  	_ =	shalt  }
0x5a: {  	_ =	shalt  }
0x5b: {  	_ =	shalt  }
0x5c: {  	_ =	shalt  }
0x5d: {  	_ =	shalt  }
0x5e: {  	_ =	shalt  }
0x5f: {  	_ =	shalt  }
0x60: {  	_ =	shalt  }
0x61: {  	_ =	shalt  }
0x62: {  	_ =	shalt  }
0x63: {  	_ =	shalt  }
0x64: {  	_ =	shalt  }
0x65: {  	_ =	shalt  }
0x66: {  	_ =	shalt  }
0x67: {  	_ =	shalt  }
0x68: {  	_ =	shalt  }
0x69: {  	_ =	shalt  }
0x6a: {  	_ =	shalt  }
0x6b: {  	_ =	shalt  }
0x6c: {  	_ =	shalt  }
0x6d: {  	_ =	shalt  }
0x6e: {  	_ =	shalt  }
0x6f: {  	_ =	shalt  }
0x70: {  	_ =	shalt  }
0x71: {  	_ =	shalt  }
0x72: {  	_ =	shalt  }
0x73: {  	_ =	shalt  }
0x74: {  	_ =	shalt  }
0x75: {  	_ =	shalt  }
0x76: {  	_ =	shalt  }
0x77: {  	_ =	shalt  }
0x78: {  	_ =	shalt  }
0x79: {  	_ =	shalt  }
0x7a: {  	_ =	shalt  }
0x7b: {  	_ =	shalt  }
0x7c: {  	_ =	shalt  }
0x7d: {  	_ =	shalt  }
0x7e: {  	_ =	shalt  }
0x7f: {  	_ =	shalt  }
0x80: {  	_ =	shalt  }
0x81: {  	_ =	shalt  }
0x82: {  	_ =	shalt  }
0x83: {  	_ =	shalt  }
0x84: {  	_ =	shalt  }
0x85: {  	_ =	shalt  }
0x86: {  	_ =	shalt  }
0x87: {  	_ =	shalt  }
.Lfunc_end0:
.L_simem_size_0:
called_computation_lowered:
.L_overlay_start_0:
0x88: {  	s2 =	sld [smem:$0x3FD9]  }
0x89: {  	s3 =	sld [smem:$0x3FFE];
	_ =	sdelay $0x1  }
0x8a: {  	s1 =	srdreg.scid  }
0x8b: {  	s0 =	sand.u32 $0x1, s1  }
0x8c: {  	s17 =	sshll.u32 s0, $0xA;
	s2 =	sadd.s32 s3, s2  }
0x8d: {  	s2 =	sadd.s32 s2, s17  }
0x8e: {  	[smem:$0x3FBC] =	sst s2  }
0x8f: {  	_ = 	snop  }
0x90: {  	s2 =	sld [smem:$0x3FC9]  }
0x91: {  	s18 =	sld [smem:$0x3FC8]  }
0x92: {  	s4 =	sld [smem:$0x3FC7]  }
0x93: {  	s5 =	sld [smem:$0x3FC6]  }
0x94: {  	s6 =	sld [smem:$0x3FC5]  }
0x95: {  	s7 =	sld [smem:$0x3FD0];
	(tm) =	ssettm $0x1  }
0x96: {  	s8 =	sld [smem:$0x3FFB];
	_ =	sdelay $0x3  }
0x97: {  	_ =	strace s8  }
0x98: {  	s8 =	sld [smem:$0x3FFC];
	_ =	sdelay $0x3  }
0x99: {  	_ =	strace s8  }
0x9a: {  	s8 =	sld [smem:$0x3FFD];
	_ =	sdelay $0x3  }
0x9b: {  	_ =	strace s8  }
0x9c: {  	_ =	strace $0x8FFFFFFF  }
0x9d: {  	s19 =	sld [smem:$0x3FDB];
	_ =	sdelay $0x1  }
0x9e: {  	s9 =	simm.s32 $_scs_section_size  }
0x9f: {  	s10 =	simm.s32 $_size__tile_overlayer_lowered;
	s11 =	simm.s32 $_tile_overlayer_lowered  }
0xa0: {  	s22 =	simm.s32 $0x1BFF;
	s21 =	sshll.u32 s11, $0x1;
	s8 =	sadd.s32 s9, s19  }
0xa1: {  	s12 =	simm.s32 $0x0;
	s20 =	sshll.u32 s10, $0x1;
	s10 =	sadd.s32 s21, s8  }
0xa2: {  	[timem:s12], [sflag:s22] =	dma.local [hbm:s10], s20  }
0xa3: {  	_ =	swait.ge [sflag:s22], s20  }
0xa4: {  	s9 =	ssub.s32 $0x0, s20;
	[sflag:s22] =	ssyncset.done $0x0  }
0xa5: {  	[sflag:s22] =	ssyncadd.s32 s9;
	_ =	sdelay $0x1  }
0xa6: {  	s23 =	simm.s32 $0x1B8B  }
0xa7: {  	_ =	swait.ge [sflag:s23], $0x1  }
0xa8: {  	[sflag:s23] =	ssyncset.done $0x0  }
0xa9: {  	s25 =	simm.s32 $0x1B8E;
	s24 =	sld [smem:$0x3FFE];
	[sflag:s23] =	ssyncadd.s32 $0xFFFFFFFF  }
0xaa: {  	s26 =	simm.s32 $execute0_lowered;
	[smem:$0x3FD2] =	sst s25  }
0xab: {  	s10 =	sshll.u32 s26, $0x1;
	_ =	strace $0x80000046;
	[dreg:$0x1] =	wrdreg $0xFFFFFFFF  }
0xac: {  	s28 =	simm.s32 $_size_execute0_lowered;
	s8 =	sadd.s32 s8, s10;
	[dreg:$0x0] =	wrdreg $0x0  }
0xad: {  	s10 =	sshll.u32 s28, $0x1;
	[dreg:$0x2] =	wrdreg s8  }
0xae: {  	[dreg:$0x3] =	wrdreg s10  }
0xaf: {  	[dreg:$0x4] =	wrdreg $0xC0  }
0xb0: {  	_ =	task [dreg:s12], $0x5FFFF  }
0xb1: {  	[dreg:$0x1] =	wrdreg $0xFFFFFFFF  }
0xb2: {  	[dreg:$0x0] =	wrdreg $0x60  }
0xb3: {  	[dreg:$0x2] =	wrdreg s2  }
0xb4: {  	[dreg:$0x3] =	wrdreg s18  }
0xb5: {  	[dreg:$0x4] =	wrdreg s4  }
0xb6: {  	[dreg:$0x5] =	wrdreg s5  }
0xb7: {  	[dreg:$0x6] =	wrdreg s6  }
0xb8: {  	[dreg:$0x7] =	wrdreg s24  }
0xb9: {  	[dreg:$0x8] =	wrdreg s7  }
0xba: {  	[dreg:$0x9] =	wrdreg $0x9  }
0xbb: {  	_ =	task.clear_ibuf [dreg:s12], $0xAFFFF;
	_ =	strace $0x90000046  }
0xbc: {  	s29 =	simm.s32 $0x9;
	_ =	strace $0x80000048  }
0xbd: {  	_ =	swait.ge [sflag:s29], $0x1  }
0xbe: {  	[sflag:s29] =	ssyncadd.s32 $0xFFFFFFFF  }
0xbf: {  	_ =	strace $0x90000048  }
0xc0: {  	_ =	sfence  }
0xc1: {  	s30 =	sld [smem:$0x0];
	_ =	sdelay $0x2  }
0xc2: {  	s31 =	sshll.u32 s1, $0xD;
	s1 =	sshrl.u32 s1, $0x2  }
0xc3: {  	s3 =	sand.u32 $0x4000, s31;
	s1 =	sadd.s32 s1, s30  }
0xc4: {  	s0 =	sor.u32 s3, s0;
	s1 =	sshll.u32 s1, $0x11  }
0xc5: {  	s0 =	sor.u32 s1, s0  }
0xc6: {  	s0 =	sadd.s32 $0x8F2B, s0  }
0xc7: {  	[sflag:s0] =	ssyncadd.remote.s32 $0x1  }
0xc8: {  	_ =	sfence.sel $0xFFFF  }
0xc9: {  	[dreg:$0x0] =	wrdreg $0xFFFFFFFF;
	(pc) =	sbr.abs _section_cstart, $3  }
0xca: {  	[dreg:$0x1] =	wrdreg $0xFFFFFFFF  }
0xcb: {  	_ =	task.clear_ibuf [dreg:s12], $0x2FFFF;
	_ =	strace $0x9FFFFFFF  }
0xcc: {  	(tm) =	ssettm $0x7FFFFFFF  }
0xcd: {  	_ =	shalt  }
tec
execute0_lowered:
.L_overlay_start_1:
0x0: {  	(tag) =	ssettag $0x1  }
0x1: {  	s0 =	rddreg [dreg:$0x0]  }
0x2: {  	s2 =	rddreg [dreg:$0x1]  }
0x3: {  	s7 =	rddreg [dreg:$0x2]  }
0x4: {  	s8 =	rddreg [dreg:$0x3]  }
0x5: {  	s9 =	rddreg [dreg:$0x4]  }
0x6: {  	s6 =	rddreg [dreg:$0x5]  }
0x7: {  	s10 =	rddreg [dreg:$0x6];
	s1 =	simm.s32 $0x0;
	s4 =	srdreg.scid  }
0x8: {  	s5 =	stileid.u32;
	s17 =	simm.s32 $0x200;
	s18 =	simm.s32 $0x400  }
0x9: {  	s22 =	simm.s32 $0x2;
	s23 =	simm.s32 $0x80;
	s24 =	simm.s32 $0xA80  }
0xa: {  	s21 =	simm.s32 $0x40;
	s28 =	simm.s32 $0x8A80;
	s29 =	simm.s32 $0x1  }
0xb: {  	s30 =	simm.s32 $0x20;
	s31 =	simm.s32 $0x10;
	[smem:$0x7FF] =	sst s1  }
0xc: {  	s3 =	sadd.s32 $0x2800, s6;
	s11 =	sand.u32 $0x1, s4;
	s4 =	sadd.s32 $0x1000, s6  }
0xd: {  	s12 =	sshll.u32 s5, $0xA;
	s5 =	sadd.s32 $0x2000, s6;
	s13 =	sshll.u32 s11, $0x9  }
0xe: {  	s6 =	sadd.s32 $0x187A00, s6;
	s11 =	ssub.s32 $0x2, s11;
	s12 =	sor.u32 s13, s12  }
0xf: {  	_ =	strace $0x80000047;
	s25 =	sshrl.u32 s11, $0x1;
	s14 =	sshrl.u32 s12, $0x3  }
0x10: {  	s16 =	ssub.s32 s11, s25;
	s26 =	sshll.u32 s12, $0x4;
	s25 =	simm.s32 $0x4A80  }
0x11: {  	s7 =	sadd.s32 s7, s14;
	s8 =	sadd.s32 s8, s14;
	s9 =	sadd.s32 s9, s14  }
0x12: {  	s10 =	sadd.s32 s10, s26;
	s11 =	sadd.s32 s0, s14;
	s12 =	sadd.s32 s2, s14  }
0x13: {  	s16 =	smax.u32 s16, $0x1;
	s26 =	simm.s32 $0x6A80;
	s0 =	simm.s32 $0x0  }
0x14: {  	s13 =	sadd.s32 $0x8, s10;
	s14 =	sadd.s32 $0xC, s10;
	s15 =	sadd.s32 $0xE, s10  }
.LBB2_1:
0x15: {  	[tilespmem:s1], [sflag:$0x2] =	stream.linear.gather [hbm4b:s7+s1], $0x200, $0x38;
	[tilespmem:$0x10A80] =	vst v63  }
0x16: {  	_ = 	snop  }
0x17: {  	[tilespmem:s17], [sflag:$0x2] =	stream.linear.gather [hbm4b:s8+s1], $0x200, $0x38;
	[tilespmem:$0x10A80] =	vst v63  }
0x18: {  	_ = 	snop  }
0x19: {  	[tilespmem:s18], [sflag:$0x2] =	stream.linear.gather [hbm4b:s9+s1], $0x200, $0x38;
	[tilespmem:$0x10A80] =	vst v63  }
0x1a: {  	s2 =	simm.s32 $0x600  }
0x1b: {  	[tilespmem:s2], [sflag:$0x2] =	stream.linear.gather [hbm4b:s11+s1], $0x200, $0x38;
	[tilespmem:$0x10A80] =	vst v63  }
0x1c: {  	s19 =	simm.s32 $0x800  }
0x1d: {  	[tilespmem:s19], [sflag:$0x2] =	stream.linear.gather [hbm4b:s12+s1], $0x200, $0x38;
	[tilespmem:$0x10A80] =	vst v63  }
0x1e: {  	s20 =	simm.s32 $0xA00  }
0x1f: {  	[tilespmem:s20], [sflag:$0x2] =	stream.linear.gather [hbm4b:s3+s1], $0x80, $0x38;
	[tilespmem:$0x10A80] =	vst v63  }
0x20: {  	_ =	swait.ge [sflag:s22], $0x200  }
0x21: {  	[sflag:s22] =	ssyncset.done $0x0  }
0x22: {  	[sflag:s22] =	ssyncadd.s32 $0xFFFFFE00  }
0x23: {  	_ =	swait.ge [sflag:s22], $0x200  }
0x24: {  	[sflag:s22] =	ssyncset.done $0x0  }
0x25: {  	[sflag:s22] =	ssyncadd.s32 $0xFFFFFE00  }
0x26: {  	_ =	swait.ge [sflag:s22], $0x200  }
0x27: {  	[sflag:s22] =	ssyncset.done $0x0  }
0x28: {  	[sflag:s22] =	ssyncadd.s32 $0xFFFFFE00  }
0x29: {  	[tilespmem:s24], [sflag:$0x1] =	stream.indirect.gather [hbm4b:s4+s23], $0x20, s1, s23, $0xb8;
	[tilespmem:$0x10A80] =	vst v63  }
0x2a: {  	_ = 	snop  }
0x2b: {  	[tilespmem:s25], [sflag:$0x1] =	stream.indirect.gather [hbm4b:s5+s23], $0x10, s17, s23, $0xb8;
	[tilespmem:$0x10A80] =	vst v63  }
0x2c: {  	_ = 	snop  }
0x2d: {  	[tilespmem:s26], [sflag:$0x1] =	stream.indirect.gather [hbm4b:s6+s23], $0x10, s18, s23, $0xb8;
	[tilespmem:$0x10A80] =	vst v63  }
0x2e: {  	s19 =	simm.s32 $0x1A80  }
0x2f: {  	[tilespmem:s19], [sflag:$0x1] =	stream.indirect.gather [hbm4b:s4+s23], $0x20, s23, s23, $0xb8;
	[tilespmem:$0x10A80] =	vst v63  }
0x30: {  	s20 =	simm.s32 $0x280;
	s19 =	simm.s32 $0x5280  }
0x31: {  	[tilespmem:s19], [sflag:$0x1] =	stream.indirect.gather [hbm4b:s5+s23], $0x10, s20, s23, $0xb8;
	[tilespmem:$0x10A80] =	vst v63  }
0x32: {  	s19 =	simm.s32 $0x480;
	s20 =	simm.s32 $0x7280  }
0x33: {  	[tilespmem:s20], [sflag:$0x1] =	stream.indirect.gather [hbm4b:s6+s23], $0x10, s19, s23, $0xb8;
	[tilespmem:$0x10A80] =	vst v63  }
0x34: {  	s19 =	simm.s32 $0x100;
	s20 =	simm.s32 $0x2A80  }
0x35: {  	[tilespmem:s20], [sflag:$0x1] =	stream.indirect.gather [hbm4b:s4+s23], $0x20, s19, s23, $0xb8;
	[tilespmem:$0x10A80] =	vst v63  }
0x36: {  	s19 =	simm.s32 $0x300;
	s20 =	simm.s32 $0x5A80  }
0x37: {  	[tilespmem:s20], [sflag:$0x1] =	stream.indirect.gather [hbm4b:s5+s23], $0x10, s19, s23, $0xb8;
	[tilespmem:$0x10A80] =	vst v63  }
0x38: {  	s19 =	simm.s32 $0x500;
	s20 =	simm.s32 $0x7A80  }
0x39: {  	[tilespmem:s20], [sflag:$0x1] =	stream.indirect.gather [hbm4b:s6+s23], $0x10, s19, s23, $0xb8;
	[tilespmem:$0x10A80] =	vst v63  }
0x3a: {  	s19 =	simm.s32 $0x180;
	s20 =	simm.s32 $0x3A80  }
0x3b: {  	[tilespmem:s20], [sflag:$0x1] =	stream.indirect.gather [hbm4b:s4+s23], $0x20, s19, s23, $0xb8;
	[tilespmem:$0x10A80] =	vst v63  }
0x3c: {  	s19 =	simm.s32 $0x380;
	s20 =	simm.s32 $0x6280  }
0x3d: {  	[tilespmem:s20], [sflag:$0x1] =	stream.indirect.gather [hbm4b:s5+s23], $0x10, s19, s23, $0xb8;
	[tilespmem:$0x10A80] =	vst v63  }
0x3e: {  	s19 =	simm.s32 $0x580;
	s20 =	simm.s32 $0x8280  }
0x3f: {  	[tilespmem:s20], [sflag:$0x1] =	stream.indirect.gather [hbm4b:s6+s23], $0x10, s19, s23, $0xb8;
	[tilespmem:$0x10A80] =	vst v63  }
0x40: {  	_ =	swait.ge [sflag:s22], $0x200  }
0x41: {  	[sflag:s22] =	ssyncset.done $0x0  }
0x42: {  	[sflag:s22] =	ssyncadd.s32 $0xFFFFFE00  }
0x43: {  	_ =	swait.ge [sflag:s22], $0x200  }
0x44: {  	[sflag:s22] =	ssyncset.done $0x0  }
0x45: {  	[sflag:s22] =	ssyncadd.s32 $0xFFFFFE00  }
0x46: {  	_ =	swait.ge [sflag:s22], $0x80  }
0x47: {  	[sflag:s22] =	ssyncset.done $0x0  }
0x48: {  	s20 =	simm.s32 $0x0;
	[sflag:s22] =	ssyncadd.s32 $0xFFFFFF80  }
0x49: {  	v8 =	vld [tilespmem:s20+$0x800];
	_ =	sdelay $0x1  }
0x4a: {  	v1 =	vld [tilespmem:$0xA50]  }
0x4b: {  	v3 =	vld [tilespmem:$0xA40]  }
0x4c: {  	v0 =	vld [tilespmem:$0xA70]  }
0x4d: {  	v2 =	vld [tilespmem:$0xA60];
	v5 =	vbroadcast v8, $0xE;
	_ =	sdelay $0x1  }
0x4e: {  	v7 =	vld [tilespmem:$0xA00];
	v9 =	vbroadcast v8, $0xD;
	v10 =	vmul.f32 v5, v1  }
0x4f: {  	v4 =	vld [tilespmem:$0xA10];
	v11 =	vmul.f32 v5, v3  }
0x50: {  	v6 =	vld [tilespmem:$0xA20];
	v12 =	vbroadcast v8, $0xC;
	v13 =	vmul.f32 v9, v1;
	v10 =	vadd.f32 v10, v0  }
0x51: {  	s2 =	simm.s32 $0x8C80;
	v5 =	vld [tilespmem:$0xA30];
	v14 =	vmul.f32 v9, v3;
	v11 =	vadd.f32 v11, v2  }
0x52: {  	v27 =	vbroadcast v8, $0xA;
	v9 =	vld [tilespmem:s20+$0x600];
	v16 =	vmul.f32 v12, v1;
	v13 =	vadd.f32 v13, v0;
	[tilespmem:s2+$0x1B0] =	vst v10  }
0x53: {  	v15 =	vbroadcast v8, $0xB;
	v23 =	vmul.f32 v12, v3;
	v24 =	vadd.f32 v14, v2;
	[tilespmem:s2+$0x1A0] =	vst v11  }
0x54: {  	v30 =	vbroadcast v8, $0x9;
	v17 =	vmul.f32 v27, v1;
	v26 =	vadd.f32 v16, v0;
	[tilespmem:s2+$0x170] =	vst v13  }
0x55: {  	v58 =	vbroadcast v8, $0x8;
	v31 =	vmul.f32 v27, v3;
	v29 =	vadd.f32 v23, v2;
	[tilespmem:s2+$0x160] =	vst v24  }
0x56: {  	v21 =	vbroadcast v8, $0x7;
	v32 =	vmul.f32 v30, v1;
	v17 =	vadd.f32 v17, v0;
	[tilespmem:s2+$0x130] =	vst v26  }
0x57: {  	v25 =	vmul.f32 v15, v1;
	v12 =	vmul.f32 v30, v3;
	v34 =	vadd.f32 v31, v2;
	[tilespmem:s2+$0x120] =	vst v29  }
0x58: {  	v28 =	vmul.f32 v15, v3;
	v60 =	vmul.f32 v58, v1;
	v15 =	vadd.f32 v32, v0;
	[tilespmem:s2+$0xB0] =	vst v17  }
0x59: {  	v12 =	vadd.f32 v12, v2;
	[tilespmem:s2+$0xA0] =	vst v34  }
0x5a: {  	v63 =	vadd.f32 v60, v0;
	[tilespmem:s2+$0x70] =	vst v15;
	v24 =	vmul.f32 v21, v1  }
0x5b: {  	v11 =	vadd.f32 v25, v0;
	[tilespmem:s2+$0x60] =	vst v12;
	v25 =	vmul.f32 v21, v3;
	v29 =	vbroadcast v8, $0x6  }
0x5c: {  	v13 =	vadd.f32 v28, v2;
	[tilespmem:s2+$0x30] =	vst v63;
	v10 =	vbroadcast v9, $0x3;
	v33 =	vbroadcast v9, $0x2  }
0x5d: {  	v36 =	vbroadcast v9, $0x1;
	[tilespmem:s2+$0xF0] =	vst v11;
	v28 =	vadd.f32 v24, v0;
	v32 =	vmul.f32 v29, v3  }
0x5e: {  	[tilespmem:s2+$0xE0] =	vst v13;
	v12 =	vadd.f32 v25, v2;
	v35 =	vmul.f32 v10, v7;
	v18 =	vmul.f32 v33, v4  }
0x5f: {  	v38 =	vmul.f32 v36, v4;
	v13 =	vmul.f32 v36, v7;
	[tilespmem:s2+$0xFFFFFFF0] =	vst v28;
	v36 =	vadd.f32 v32, v2  }
0x60: {  	v16 =	vmul.f32 v33, v7;
	[tilespmem:s2+$0xFFFFFFE0] =	vst v12;
	v14 =	vadd.f32 v35, v6  }
0x61: {  	v37 =	vbroadcast v9, $0x0;
	v18 =	vadd.f32 v18, v5;
	[tilespmem:s2+$0xFFFFFFA0] =	vst v36  }
0x62: {  	v42 =	vbroadcast v9, $0xE;
	v39 =	vadd.f32 v16, v6;
	[tilespmem:s2+$0xFFFFFEC0] =	vst v14  }
0x63: {  	v44 =	vbroadcast v9, $0xD;
	v17 =	vmul.f32 v37, v7;
	v41 =	vadd.f32 v38, v5;
	[tilespmem:s2+$0xFFFFFE90] =	vst v18  }
0x64: {  	v50 =	vbroadcast v9, $0xB;
	v19 =	vmul.f32 v42, v4;
	v13 =	vadd.f32 v13, v6;
	[tilespmem:s2+$0xFFFFFE80] =	vst v39  }
0x65: {  	v51 =	vbroadcast v9, $0xA;
	v47 =	vmul.f32 v44, v4;
	v17 =	vadd.f32 v17, v6;
	[tilespmem:s2+$0xFFFFFE50] =	vst v41  }
0x66: {  	v52 =	vmul.f32 v50, v4;
	v19 =	vadd.f32 v19, v5;
	[tilespmem:s2+$0xFFFFFE40] =	vst v13  }
0x67: {  	v11 =	vbroadcast v9, $0xF;
	v54 =	vmul.f32 v51, v4;
	v49 =	vadd.f32 v47, v5;
	[tilespmem:s2+$0xFFFFFE00] =	vst v17  }
0x68: {  	v10 =	vmul.f32 v10, v4;
	v55 =	vadd.f32 v52, v5;
	[tilespmem:s2+$0x190] =	vst v19  }
0x69: {  	v43 =	vmul.f32 v11, v7;
	v57 =	vadd.f32 v54, v5;
	[tilespmem:s2+$0x150] =	vst v49  }
0x6a: {  	v40 =	vmul.f32 v37, v4;
	v10 =	vadd.f32 v10, v5;
	[tilespmem:s2+$0xD0] =	vst v55  }
0x6b: {  	v45 =	vmul.f32 v42, v7;
	v15 =	vadd.f32 v43, v6;
	[tilespmem:s2+$0x90] =	vst v57  }
0x6c: {  	v56 =	vbroadcast v9, $0x9;
	v16 =	vmul.f32 v44, v7;
	v14 =	vadd.f32 v40, v5;
	[tilespmem:s2+$0xFFFFFED0] =	vst v10  }
0x6d: {  	v53 =	vmul.f32 v50, v7;
	v33 =	vbroadcast v8, $0x5;
	v13 =	vadd.f32 v45, v6;
	[tilespmem:s2+$0x1C0] =	vst v15  }
0x6e: {  	v59 =	vmul.f32 v56, v4;
	v16 =	vadd.f32 v16, v6;
	[tilespmem:s2+$0xFFFFFE10] =	vst v14  }
0x6f: {  	v38 =	vmul.f32 v33, v1;
	v17 =	vadd.f32 v53, v6;
	[tilespmem:s2+$0x180] =	vst v13  }
0x70: {  	v46 =	vbroadcast v9, $0xC;
	v12 =	vmul.f32 v33, v3;
	v18 =	vadd.f32 v59, v5;
	[tilespmem:s2+$0x140] =	vst v16  }
0x71: {  	v61 =	vbroadcast v9, $0x8;
	v60 =	vmul.f32 v11, v4;
	v40 =	vadd.f32 v38, v0;
	[tilespmem:s2+$0xC0] =	vst v17  }
0x72: {  	v30 =	vbroadcast v9, $0x6;
	v48 =	vmul.f32 v46, v4;
	v12 =	vadd.f32 v12, v2;
	[tilespmem:s2+$0x50] =	vst v18  }
0x73: {  	v22 =	vmul.f32 v61, v4;
	v37 =	vbroadcast v9, $0x5;
	v10 =	vadd.f32 v60, v5;
	[tilespmem:s2+$0xFFFFFF70] =	vst v40  }
0x74: {  	v34 =	vmul.f32 v30, v4;
	v15 =	vadd.f32 v48, v5;
	[tilespmem:s2+$0xFFFFFF60] =	vst v12  }
0x75: {  	v39 =	vmul.f32 v37, v4;
	v16 =	vadd.f32 v22, v5;
	[tilespmem:s2+$0x1D0] =	vst v10  }
0x76: {  	v14 =	vmul.f32 v46, v7;
	v18 =	vadd.f32 v34, v5;
	[tilespmem:s2+$0x110] =	vst v15  }
0x77: {  	v23 =	vbroadcast v9, $0x7;
	v13 =	vmul.f32 v51, v7;
	v42 =	vadd.f32 v39, v5;
	[tilespmem:s2+$0x10] =	vst v16  }
0x78: {  	v41 =	vbroadcast v8, $0x4;
	v17 =	vmul.f32 v61, v7;
	v14 =	vadd.f32 v14, v6;
	[tilespmem:s2+$0xFFFFFF90] =	vst v18  }
0x79: {  	v31 =	vmul.f32 v29, v1;
	v9 =	vbroadcast v9, $0x4;
	v13 =	vadd.f32 v13, v6;
	[tilespmem:s2+$0xFFFFFF50] =	vst v42  }
0x7a: {  	v44 =	vmul.f32 v41, v3;
	v26 =	vadd.f32 v17, v6;
	[tilespmem:s2+$0x100] =	vst v14  }
0x7b: {  	v45 =	vbroadcast v8, $0x3;
	v46 =	vmul.f32 v9, v4;
	v16 =	vadd.f32 v31, v0;
	[tilespmem:s2+$0x80] =	vst v13  }
0x7c: {  	v9 =	vmul.f32 v9, v7;
	v47 =	vadd.f32 v44, v2;
	[tilespmem:s2+$0x0] =	vst v26  }
0x7d: {  	v55 =	vbroadcast v8, $0x0;
	v48 =	vmul.f32 v45, v1;
	v49 =	vadd.f32 v46, v5;
	[tilespmem:s2+$0xFFFFFFB0] =	vst v16  }
0x7e: {  	v12 =	vmul.f32 v45, v3;
	v9 =	vadd.f32 v9, v6;
	[tilespmem:s2+$0xFFFFFF20] =	vst v47  }
0x7f: {  	v62 =	vmul.f32 v58, v3;
	v58 =	vmul.f32 v55, v1;
	v51 =	vadd.f32 v48, v0;
	[tilespmem:s2+$0xFFFFFF10] =	vst v49  }
0x80: {  	v15 =	vmul.f32 v56, v7;
	v12 =	vadd.f32 v12, v2;
	[tilespmem:s2+$0xFFFFFF00] =	vst v9  }
0x81: {  	v50 =	vbroadcast v8, $0x2;
	v59 =	vadd.f32 v58, v0;
	[tilespmem:s2+$0xFFFFFEF0] =	vst v51  }
0x82: {  	v43 =	vmul.f32 v41, v1;
	v15 =	vadd.f32 v15, v6;
	[tilespmem:s2+$0xFFFFFEE0] =	vst v12  }
0x83: {  	v52 =	vbroadcast v8, $0x1;
	v53 =	vmul.f32 v50, v1;
	v13 =	vadd.f32 v62, v2;
	[tilespmem:s2+$0xFFFFFE30] =	vst v59  }
0x84: {  	v54 =	vmul.f32 v50, v3;
	v14 =	vadd.f32 v43, v0;
	[tilespmem:s2+$0x40] =	vst v15  }
0x85: {  	v57 =	vmul.f32 v52, v3;
	v16 =	vadd.f32 v53, v0;
	[tilespmem:s2+$0x20] =	vst v13  }
0x86: {  	v27 =	vmul.f32 v23, v4;
	v9 =	vadd.f32 v54, v2;
	[tilespmem:s2+$0xFFFFFF30] =	vst v14  }
0x87: {  	v56 =	vmul.f32 v52, v1;
	v12 =	vadd.f32 v57, v2;
	[tilespmem:s2+$0xFFFFFEB0] =	vst v16  }
0x88: {  	v8 =	vbroadcast v8, $0xF;
	v15 =	vmul.f32 v23, v7;
	v13 =	vadd.f32 v27, v5;
	[tilespmem:s2+$0xFFFFFEA0] =	vst v9  }
0x89: {  	v35 =	vmul.f32 v30, v7;
	v14 =	vadd.f32 v56, v0;
	[tilespmem:s2+$0xFFFFFE60] =	vst v12  }
0x8a: {  	v62 =	vmul.f32 v8, v3;
	v15 =	vadd.f32 v15, v6;
	[tilespmem:s2+$0xFFFFFFD0] =	vst v13  }
0x8b: {  	v8 =	vmul.f32 v8, v1;
	v13 =	vadd.f32 v35, v6;
	[tilespmem:s2+$0xFFFFFE70] =	vst v14  }
0x8c: {  	v63 =	vadd.f32 v62, v2;
	[tilespmem:s2+$0xFFFFFFC0] =	vst v15;
	v15 =	vmul.f32 v37, v7  }
0x8d: {  	v8 =	vadd.f32 v8, v0;
	[tilespmem:s2+$0xFFFFFF80] =	vst v13;
	v13 =	vmul.f32 v55, v3  }
0x8e: {  	[tilespmem:s2+$0x1E0] =	vst v63;
	v15 =	vadd.f32 v15, v6  }
0x8f: {  	[tilespmem:s2+$0x1F0] =	vst v8;
	v61 =	vadd.f32 v13, v2  }
0x90: {  	[tilespmem:s2+$0xFFFFFF40] =	vst v15  }
0x91: {  	s19 =	simm.s32 $0x80;
	s20 =	simm.s32 $0x10;
	[tilespmem:s2+$0xFFFFFE20] =	vst v61  }
.LBB2_2:
0x92: {  	p0 =	sne.s32 s19, $0x7C0;
	v8 =	vld [tilespmem:s20+$0x800];
	_ =	sdelay $0x4  }
0x93: {  	v9 =	vbroadcast v8, $0xD;
	v10 =	vbroadcast v8, $0xE  }
0x94: {  	v12 =	vbroadcast v8, $0xB;
	v11 =	vbroadcast v8, $0xC  }
0x95: {  	v13 =	vmul.f32 v10, v3;
	v10 =	vmul.f32 v10, v1  }
0x96: {  	v14 =	vmul.f32 v9, v3;
	v9 =	vmul.f32 v9, v1  }
0x97: {  	v15 =	vmul.f32 v11, v1;
	v13 =	vadd.f32 v13, v2;
	v10 =	vadd.f32 v10, v0  }
0x98: {  	s2 =	sadd.s32 $0x400, s2;
	v16 =	vmul.f32 v11, v3;
	v14 =	vadd.f32 v14, v2;
	v9 =	vadd.f32 v9, v0  }
0x99: {  	v17 =	vmul.f32 v12, v3;
	v12 =	vmul.f32 v12, v1;
	v15 =	vadd.f32 v15, v0;
	v11 =	vld [tilespmem:s20+$0x600];
	[tilespmem:s2+$0x1B0] =	vst v10  }
0x9a: {  	v18 =	vbroadcast v8, $0xA;
	v16 =	vadd.f32 v16, v2;
	v10 =	vbroadcast v8, $0x9;
	[tilespmem:s2+$0x1A0] =	vst v13  }
0x9b: {  	v17 =	vadd.f32 v17, v2;
	v12 =	vadd.f32 v12, v0;
	v13 =	vbroadcast v8, $0x8;
	[tilespmem:s2+$0x170] =	vst v9  }
0x9c: {  	v19 =	vmul.f32 v18, v3;
	v18 =	vmul.f32 v18, v1;
	[tilespmem:s2+$0x160] =	vst v14  }
0x9d: {  	v14 =	vmul.f32 v10, v3;
	v10 =	vmul.f32 v10, v1;
	[tilespmem:s2+$0x130] =	vst v15  }
0x9e: {  	v18 =	vadd.f32 v18, v0;
	v15 =	vbroadcast v11, $0x2;
	v9 =	vbroadcast v11, $0x3;
	[tilespmem:s2+$0x120] =	vst v16  }
0x9f: {  	v19 =	vadd.f32 v19, v2;
	v16 =	vbroadcast v11, $0x0;
	v20 =	vbroadcast v11, $0x1;
	[tilespmem:s2+$0xF0] =	vst v12  }
0xa0: {  	v10 =	vadd.f32 v10, v0;
	v12 =	vmul.f32 v15, v4;
	v21 =	vmul.f32 v9, v7;
	[tilespmem:s2+$0xE0] =	vst v17  }
0xa1: {  	v14 =	vadd.f32 v14, v2;
	v17 =	vmul.f32 v20, v4;
	v15 =	vmul.f32 v15, v7;
	[tilespmem:s2+$0xB0] =	vst v18  }
0xa2: {  	v18 =	vmul.f32 v20, v7;
	v12 =	vadd.f32 v12, v5;
	v20 =	vadd.f32 v21, v6;
	[tilespmem:s2+$0xA0] =	vst v19  }
0xa3: {  	v19 =	vmul.f32 v16, v4;
	v17 =	vadd.f32 v17, v5;
	v15 =	vadd.f32 v15, v6;
	[tilespmem:s2+$0x70] =	vst v10  }
0xa4: {  	v16 =	vmul.f32 v16, v7;
	v18 =	vadd.f32 v18, v6;
	v10 =	vbroadcast v11, $0xF;
	[tilespmem:s2+$0xFFFFFEC0] =	vst v20  }
0xa5: {  	v19 =	vadd.f32 v19, v5;
	v20 =	vbroadcast v11, $0xE;
	[tilespmem:s2+$0xFFFFFE90] =	vst v12;
	v12 =	vbroadcast v11, $0xD  }
0xa6: {  	v16 =	vadd.f32 v16, v6;
	v21 =	vmul.f32 v10, v7;
	[tilespmem:s2+$0xFFFFFE80] =	vst v15;
	v15 =	vbroadcast v11, $0xC  }
0xa7: {  	[tilespmem:s2+$0xFFFFFE50] =	vst v17;
	v17 =	vmul.f32 v20, v7;
	v20 =	vmul.f32 v20, v4  }
0xa8: {  	v21 =	vadd.f32 v21, v6;
	[tilespmem:s2+$0xFFFFFE40] =	vst v18;
	v18 =	vmul.f32 v12, v7;
	v12 =	vmul.f32 v12, v4  }
0xa9: {  	[tilespmem:s2+$0xFFFFFE10] =	vst v19;
	v19 =	vmul.f32 v15, v4;
	v17 =	vadd.f32 v17, v6;
	v20 =	vadd.f32 v20, v5  }
0xaa: {  	v15 =	vmul.f32 v15, v7;
	[tilespmem:s2+$0xFFFFFE00] =	vst v16;
	v16 =	vadd.f32 v18, v6;
	v12 =	vadd.f32 v12, v5  }
0xab: {  	v22 =	vbroadcast v11, $0xB;
	v18 =	vbroadcast v11, $0xA;
	v19 =	vadd.f32 v19, v5;
	[tilespmem:s2+$0x1C0] =	vst v21  }
0xac: {  	v23 =	vbroadcast v11, $0x9;
	v21 =	vmul.f32 v13, v1;
	v15 =	vadd.f32 v15, v6;
	[tilespmem:s2+$0x190] =	vst v20  }
0xad: {  	v20 =	vmul.f32 v22, v7;
	v22 =	vmul.f32 v22, v4;
	[tilespmem:s2+$0x180] =	vst v17  }
0xae: {  	v17 =	vadd.f32 v21, v0;
	v21 =	vmul.f32 v18, v7;
	v18 =	vmul.f32 v18, v4;
	[tilespmem:s2+$0x150] =	vst v12  }
0xaf: {  	v12 =	vmul.f32 v23, v4;
	v20 =	vadd.f32 v20, v6;
	v22 =	vadd.f32 v22, v5;
	[tilespmem:s2+$0x140] =	vst v16  }
0xb0: {  	v16 =	vmul.f32 v23, v7;
	v21 =	vadd.f32 v21, v6;
	v18 =	vadd.f32 v18, v5;
	[tilespmem:s2+$0x110] =	vst v19  }
0xb1: {  	v13 =	vmul.f32 v13, v3;
	v19 =	vbroadcast v11, $0x8;
	v12 =	vadd.f32 v12, v5;
	[tilespmem:s2+$0x100] =	vst v15  }
0xb2: {  	v23 =	vbroadcast v8, $0x7;
	v15 =	vbroadcast v11, $0x7;
	v16 =	vadd.f32 v16, v6;
	[tilespmem:s2+$0xD0] =	vst v22  }
0xb3: {  	v13 =	vadd.f32 v13, v2;
	v22 =	vmul.f32 v19, v7;
	v19 =	vmul.f32 v19, v4;
	[tilespmem:s2+$0xC0] =	vst v20  }
0xb4: {  	v20 =	vmul.f32 v23, v3;
	v23 =	vmul.f32 v23, v1;
	[tilespmem:s2+$0x90] =	vst v18  }
0xb5: {  	v18 =	vmul.f32 v15, v4;
	v22 =	vadd.f32 v22, v6;
	v19 =	vadd.f32 v19, v5;
	[tilespmem:s2+$0x80] =	vst v21  }
0xb6: {  	v15 =	vmul.f32 v15, v7;
	v20 =	vadd.f32 v20, v2;
	v21 =	vadd.f32 v23, v0;
	[tilespmem:s2+$0x60] =	vst v14  }
0xb7: {  	v23 =	vbroadcast v8, $0x6;
	v14 =	vbroadcast v11, $0x6;
	v18 =	vadd.f32 v18, v5;
	[tilespmem:s2+$0x50] =	vst v12  }
0xb8: {  	v24 =	vbroadcast v8, $0x5;
	v15 =	vadd.f32 v15, v6;
	v12 =	vbroadcast v11, $0x5;
	[tilespmem:s2+$0x40] =	vst v16  }
0xb9: {  	v16 =	vmul.f32 v23, v3;
	v23 =	vmul.f32 v23, v1;
	[tilespmem:s2+$0x30] =	vst v17  }
0xba: {  	v17 =	vmul.f32 v14, v7;
	v14 =	vmul.f32 v14, v4;
	[tilespmem:s2+$0x20] =	vst v13  }
0xbb: {  	v13 =	vmul.f32 v24, v1;
	v16 =	vadd.f32 v16, v2;
	v23 =	vadd.f32 v23, v0;
	[tilespmem:s2+$0x10] =	vst v19  }
0xbc: {  	v19 =	vmul.f32 v24, v3;
	v17 =	vadd.f32 v17, v6;
	v14 =	vadd.f32 v14, v5;
	[tilespmem:s2+$0x0] =	vst v22  }
0xbd: {  	v22 =	vmul.f32 v12, v7;
	v12 =	vmul.f32 v12, v4;
	v13 =	vadd.f32 v13, v0;
	[tilespmem:s2+$0xFFFFFFF0] =	vst v21  }
0xbe: {  	v11 =	vbroadcast v11, $0x4;
	v21 =	vbroadcast v8, $0x4;
	v19 =	vadd.f32 v19, v2;
	[tilespmem:s2+$0xFFFFFFE0] =	vst v20  }
0xbf: {  	v20 =	vbroadcast v8, $0x3;
	v22 =	vadd.f32 v22, v6;
	v12 =	vadd.f32 v12, v5;
	[tilespmem:s2+$0xFFFFFFD0] =	vst v18  }
0xc0: {  	v18 =	vmul.f32 v21, v3;
	v21 =	vmul.f32 v21, v1;
	[tilespmem:s2+$0xFFFFFFC0] =	vst v15  }
0xc1: {  	v15 =	vmul.f32 v11, v7;
	v11 =	vmul.f32 v11, v4;
	[tilespmem:s2+$0xFFFFFFB0] =	vst v23  }
0xc2: {  	v23 =	vmul.f32 v20, v1;
	v18 =	vadd.f32 v18, v2;
	v21 =	vadd.f32 v21, v0;
	[tilespmem:s2+$0xFFFFFFA0] =	vst v16  }
0xc3: {  	v16 =	vmul.f32 v20, v3;
	v15 =	vadd.f32 v15, v6;
	v11 =	vadd.f32 v11, v5;
	[tilespmem:s2+$0xFFFFFF90] =	vst v14  }
0xc4: {  	v9 =	vmul.f32 v9, v4;
	v14 =	vbroadcast v8, $0x2;
	v20 =	vadd.f32 v23, v0;
	[tilespmem:s2+$0xFFFFFF80] =	vst v17  }
0xc5: {  	v23 =	vbroadcast v8, $0x1;
	v17 =	vbroadcast v8, $0x0;
	v16 =	vadd.f32 v16, v2;
	[tilespmem:s2+$0xFFFFFF70] =	vst v13  }
0xc6: {  	v9 =	vadd.f32 v9, v5;
	v13 =	vmul.f32 v14, v3;
	v14 =	vmul.f32 v14, v1;
	[tilespmem:s2+$0xFFFFFF60] =	vst v19  }
0xc7: {  	v19 =	vmul.f32 v23, v3;
	v23 =	vmul.f32 v23, v1;
	[tilespmem:s2+$0xFFFFFF50] =	vst v12  }
0xc8: {  	v12 =	vmul.f32 v17, v1;
	v13 =	vadd.f32 v13, v2;
	v14 =	vadd.f32 v14, v0;
	[tilespmem:s2+$0xFFFFFF40] =	vst v22  }
0xc9: {  	v17 =	vmul.f32 v17, v3;
	v19 =	vadd.f32 v19, v2;
	v22 =	vadd.f32 v23, v0;
	[tilespmem:s2+$0xFFFFFF30] =	vst v21  }
0xca: {  	v10 =	vmul.f32 v10, v4;
	v8 =	vbroadcast v8, $0xF;
	v12 =	vadd.f32 v12, v0;
	[tilespmem:s2+$0xFFFFFF20] =	vst v18  }
0xcb: {  	v17 =	vadd.f32 v17, v2;
	[tilespmem:s2+$0xFFFFFF10] =	vst v11  }
0xcc: {  	v10 =	vadd.f32 v10, v5;
	v11 =	vmul.f32 v8, v3;
	v8 =	vmul.f32 v8, v1;
	[tilespmem:s2+$0xFFFFFF00] =	vst v15  }
0xcd: {  	[tilespmem:s2+$0xFFFFFEF0] =	vst v20  }
0xce: {  	v11 =	vadd.f32 v11, v2;
	v8 =	vadd.f32 v8, v0;
	[tilespmem:s2+$0xFFFFFEE0] =	vst v16  }
0xcf: {  	[tilespmem:s2+$0xFFFFFED0] =	vst v9  }
0xd0: {  	[tilespmem:s2+$0xFFFFFEB0] =	vst v14  }
0xd1: {  	[tilespmem:s2+$0xFFFFFEA0] =	vst v13  }
0xd2: {  	[tilespmem:s2+$0xFFFFFE70] =	vst v22  }
0xd3: {  	[tilespmem:s2+$0xFFFFFE60] =	vst v19  }
.Ltmp0:
0xd4: {  	[tilespmem:s2+$0xFFFFFE30] =	vst v12;
	(pc) =	sbr.rel @p0 .LBB2_2-.Ltmp0, $4  }
0xd5: {  	[tilespmem:s2+$0xFFFFFE20] =	vst v17  }
0xd6: {  	[tilespmem:s2+$0x1D0] =	vst v10  }
0xd7: {  	[tilespmem:s2+$0x1E0] =	vst v11  }
0xd8: {  	s20 =	sshra.s32 s19, $0x2;
	s19 =	sadd.s32 $0x40, s19;
	[tilespmem:s2+$0x1F0] =	vst v8  }
0xd9: {  	v8 =	vld [tilespmem:s20+$0x800];
	_ =	sdelay $0x4  }
0xda: {  	v9 =	vbroadcast v8, $0xE;
	_ =	sdelay $0x1  }
0xdb: {  	v10 =	vbroadcast v8, $0xD;
	v11 =	vmul.f32 v9, v1  }
0xdc: {  	v9 =	vmul.f32 v9, v3  }
0xdd: {  	v12 =	vbroadcast v8, $0xC;
	v13 =	vmul.f32 v10, v1;
	v11 =	vadd.f32 v11, v0  }
0xde: {  	s2 =	sadd.s32 $0x400, s2;
	v15 =	vbroadcast v8, $0xB;
	v10 =	vmul.f32 v10, v3;
	v14 =	vadd.f32 v9, v2  }
0xdf: {  	v23 =	vbroadcast v8, $0xA;
	v16 =	vmul.f32 v12, v1;
	v9 =	vld [tilespmem:s20+$0x600];
	v13 =	vadd.f32 v13, v0;
	[tilespmem:s2+$0x1B0] =	vst v11  }
0xe0: {  	v21 =	vmul.f32 v15, v1;
	v10 =	vadd.f32 v10, v2;
	[tilespmem:s2+$0x1A0] =	vst v14  }
0xe1: {  	v17 =	vmul.f32 v23, v1;
	v22 =	vadd.f32 v16, v0;
	[tilespmem:s2+$0x170] =	vst v13  }
0xe2: {  	v20 =	vmul.f32 v12, v3;
	v26 =	vmul.f32 v23, v3;
	v12 =	vadd.f32 v21, v0;
	[tilespmem:s2+$0x160] =	vst v10  }
0xe3: {  	v58 =	vbroadcast v8, $0x7;
	v17 =	vadd.f32 v17, v0;
	[tilespmem:s2+$0x130] =	vst v22  }
0xe4: {  	v25 =	vbroadcast v8, $0x9;
	v24 =	vmul.f32 v15, v3;
	v29 =	vadd.f32 v26, v2;
	[tilespmem:s2+$0xF0] =	vst v12  }
0xe5: {  	v61 =	vmul.f32 v58, v1;
	v11 =	vadd.f32 v20, v2;
	[tilespmem:s2+$0xB0] =	vst v17;
	v10 =	vbroadcast v9, $0x3  }
0xe6: {  	v27 =	vmul.f32 v25, v1;
	v13 =	vadd.f32 v24, v2;
	[tilespmem:s2+$0xA0] =	vst v29;
	v28 =	vbroadcast v9, $0x2  }
0xe7: {  	v22 =	vadd.f32 v61, v0;
	[tilespmem:s2+$0x120] =	vst v11;
	v30 =	vmul.f32 v10, v7  }
0xe8: {  	[tilespmem:s2+$0xE0] =	vst v13;
	v11 =	vadd.f32 v27, v0;
	v31 =	vbroadcast v9, $0x1;
	v18 =	vmul.f32 v28, v4  }
0xe9: {  	v23 =	vbroadcast v8, $0x6;
	[tilespmem:s2+$0xFFFFFFF0] =	vst v22;
	v16 =	vmul.f32 v28, v7;
	v14 =	vadd.f32 v30, v6  }
0xea: {  	v32 =	vbroadcast v9, $0x0;
	[tilespmem:s2+$0x70] =	vst v11;
	v33 =	vmul.f32 v31, v4;
	v18 =	vadd.f32 v18, v5  }
0xeb: {  	v35 =	vbroadcast v9, $0xE;
	v13 =	vmul.f32 v31, v7;
	v16 =	vadd.f32 v16, v6;
	[tilespmem:s2+$0xFFFFFEC0] =	vst v14  }
0xec: {  	v37 =	vbroadcast v9, $0xD;
	v12 =	vmul.f32 v32, v7;
	v17 =	vadd.f32 v33, v5;
	[tilespmem:s2+$0xFFFFFE90] =	vst v18  }
0xed: {  	v44 =	vbroadcast v9, $0xB;
	v19 =	vmul.f32 v35, v4;
	v13 =	vadd.f32 v13, v6;
	[tilespmem:s2+$0xFFFFFE80] =	vst v16  }
0xee: {  	v60 =	vbroadcast v9, $0x7;
	v40 =	vmul.f32 v37, v4;
	v12 =	vadd.f32 v12, v6;
	[tilespmem:s2+$0xFFFFFE50] =	vst v17  }
0xef: {  	v46 =	vmul.f32 v44, v4;
	v19 =	vadd.f32 v19, v5;
	[tilespmem:s2+$0xFFFFFE40] =	vst v13  }
0xf0: {  	v26 =	vmul.f32 v23, v3;
	v15 =	vmul.f32 v60, v7;
	v43 =	vadd.f32 v40, v5;
	[tilespmem:s2+$0xFFFFFE00] =	vst v12  }
0xf1: {  	v27 =	vbroadcast v8, $0x5;
	v11 =	vbroadcast v9, $0xF;
	v49 =	vadd.f32 v46, v5;
	[tilespmem:s2+$0x190] =	vst v19  }
0xf2: {  	v39 =	vbroadcast v9, $0xC;
	v34 =	vmul.f32 v32, v4;
	v15 =	vadd.f32 v15, v6;
	[tilespmem:s2+$0x150] =	vst v43  }
0xf3: {  	v45 =	vbroadcast v9, $0xA;
	v36 =	vmul.f32 v11, v7;
	v30 =	vadd.f32 v26, v2;
	[tilespmem:s2+$0xD0] =	vst v49  }
0xf4: {  	v50 =	vbroadcast v9, $0x9;
	v38 =	vmul.f32 v35, v7;
	v14 =	vadd.f32 v34, v5;
	[tilespmem:s2+$0xFFFFFFC0] =	vst v15  }
0xf5: {  	v55 =	vbroadcast v9, $0x8;
	v41 =	vmul.f32 v37, v7;
	v16 =	vadd.f32 v36, v6;
	[tilespmem:s2+$0xFFFFFFA0] =	vst v30  }
0xf6: {  	v24 =	vbroadcast v9, $0x6;
	v47 =	vmul.f32 v44, v7;
	v13 =	vadd.f32 v38, v6;
	[tilespmem:s2+$0xFFFFFE10] =	vst v14  }
0xf7: {  	v53 =	vmul.f32 v50, v4;
	v31 =	vbroadcast v9, $0x5;
	v12 =	vadd.f32 v41, v6;
	[tilespmem:s2+$0x1C0] =	vst v16  }
0xf8: {  	v32 =	vmul.f32 v27, v1;
	v9 =	vbroadcast v9, $0x4;
	v17 =	vadd.f32 v47, v6;
	[tilespmem:s2+$0x180] =	vst v13  }
0xf9: {  	v62 =	vmul.f32 v58, v3;
	v33 =	vmul.f32 v31, v4;
	v18 =	vadd.f32 v53, v5;
	[tilespmem:s2+$0x140] =	vst v12  }
0xfa: {  	v42 =	vmul.f32 v39, v4;
	v40 =	vmul.f32 v9, v4;
	v34 =	vadd.f32 v32, v0;
	[tilespmem:s2+$0xC0] =	vst v17  }
0xfb: {  	v48 =	vmul.f32 v45, v4;
	v58 =	vmul.f32 v11, v4;
	v36 =	vadd.f32 v33, v5;
	[tilespmem:s2+$0x50] =	vst v18  }
0xfc: {  	v59 =	vmul.f32 v55, v4;
	v21 =	vmul.f32 v60, v4;
	v44 =	vadd.f32 v40, v5;
	[tilespmem:s2+$0xFFFFFF70] =	vst v34  }
0xfd: {  	v28 =	vmul.f32 v24, v4;
	v47 =	vmul.f32 v10, v4;
	v4 =	vadd.f32 v58, v5;
	[tilespmem:s2+$0xFFFFFF50] =	vst v36  }
0xfe: {  	v35 =	vbroadcast v8, $0x4;
	v16 =	vadd.f32 v42, v5;
	[tilespmem:s2+$0xFFFFFF10] =	vst v44  }
0xff: {  	v15 =	vmul.f32 v31, v7;
	v12 =	vadd.f32 v48, v5;
	[tilespmem:s2+$0x1D0] =	vst v4  }
0x100: {  	v38 =	vmul.f32 v35, v3;
	v18 =	vadd.f32 v28, v5;
	[tilespmem:s2+$0x110] =	vst v16  }
0x101: {  	v41 =	vmul.f32 v9, v7;
	v15 =	vadd.f32 v15, v6;
	[tilespmem:s2+$0x90] =	vst v12  }
0x102: {  	v52 =	vbroadcast v8, $0x8;
	v42 =	vadd.f32 v38, v2;
	[tilespmem:s2+$0xFFFFFF90] =	vst v18  }
0x103: {  	v14 =	vmul.f32 v39, v7;
	v13 =	vmul.f32 v45, v7;
	v45 =	vadd.f32 v41, v6;
	[tilespmem:s2+$0xFFFFFF40] =	vst v15  }
0x104: {  	v54 =	vmul.f32 v52, v1;
	v56 =	vmul.f32 v52, v3;
	v52 =	vadd.f32 v47, v5;
	[tilespmem:s2+$0xFFFFFF20] =	vst v42  }
0x105: {  	v14 =	vadd.f32 v14, v6;
	[tilespmem:s2+$0xFFFFFF00] =	vst v45  }
0x106: {  	v17 =	vmul.f32 v55, v7;
	v13 =	vadd.f32 v13, v6;
	[tilespmem:s2+$0xFFFFFED0] =	vst v52  }
0x107: {  	v51 =	vmul.f32 v25, v3;
	v12 =	vadd.f32 v54, v0;
	[tilespmem:s2+$0x100] =	vst v14  }
0x108: {  	v16 =	vmul.f32 v50, v7;
	v63 =	vadd.f32 v17, v6;
	[tilespmem:s2+$0x80] =	vst v13  }
0x109: {  	v14 =	vadd.f32 v51, v2;
	[tilespmem:s2+$0x30] =	vst v12  }
0x10a: {  	v39 =	vbroadcast v8, $0x3;
	v57 =	vadd.f32 v16, v6;
	[tilespmem:s2+$0x0] =	vst v63  }
0x10b: {  	v46 =	vbroadcast v8, $0x2;
	v49 =	vbroadcast v8, $0x1;
	v13 =	vadd.f32 v56, v2;
	[tilespmem:s2+$0x60] =	vst v14  }
0x10c: {  	v53 =	vbroadcast v8, $0x0;
	v43 =	vmul.f32 v39, v1;
	v16 =	vadd.f32 v59, v5;
	[tilespmem:s2+$0x40] =	vst v57  }
0x10d: {  	v8 =	vbroadcast v8, $0xF;
	v54 =	vmul.f32 v49, v1;
	v12 =	vadd.f32 v62, v2;
	[tilespmem:s2+$0x20] =	vst v13  }
0x10e: {  	v9 =	vmul.f32 v53, v3;
	v48 =	vadd.f32 v43, v0;
	[tilespmem:s2+$0x10] =	vst v16  }
0x10f: {  	v60 =	vmul.f32 v8, v3;
	v10 =	vadd.f32 v54, v0;
	[tilespmem:s2+$0xFFFFFFE0] =	vst v12  }
0x110: {  	v61 =	vmul.f32 v8, v1;
	v59 =	vadd.f32 v9, v2;
	[tilespmem:s2+$0xFFFFFEF0] =	vst v48  }
0x111: {  	v62 =	vadd.f32 v60, v2;
	[tilespmem:s2+$0xFFFFFE70] =	vst v10  }
0x112: {  	v25 =	vmul.f32 v23, v1;
	v63 =	vadd.f32 v61, v0;
	[tilespmem:s2+$0xFFFFFE20] =	vst v59  }
0x113: {  	v37 =	vmul.f32 v35, v1;
	v13 =	vadd.f32 v21, v5;
	[tilespmem:s2+$0x1E0] =	vst v62  }
0x114: {  	v16 =	vadd.f32 v25, v0;
	v12 =	vmul.f32 v27, v3;
	[tilespmem:s2+$0x1F0] =	vst v63  }
0x115: {  	v56 =	vmul.f32 v53, v1;
	v14 =	vadd.f32 v37, v0;
	[tilespmem:s2+$0xFFFFFFD0] =	vst v13  }
0x116: {  	v29 =	vmul.f32 v24, v7;
	[tilespmem:s2+$0xFFFFFFB0] =	vst v16;
	v12 =	vadd.f32 v12, v2  }
0x117: {  	v50 =	vmul.f32 v46, v1;
	v57 =	vadd.f32 v56, v0;
	[tilespmem:s2+$0xFFFFFF30] =	vst v14  }
0x118: {  	v13 =	vadd.f32 v29, v6;
	[tilespmem:s2+$0xFFFFFF60] =	vst v12;
	v12 =	vmul.f32 v39, v3  }
0x119: {  	v51 =	vmul.f32 v46, v3;
	v14 =	vadd.f32 v50, v0;
	[tilespmem:s2+$0xFFFFFE30] =	vst v57  }
0x11a: {  	v55 =	vmul.f32 v49, v3;
	[tilespmem:s2+$0xFFFFFF80] =	vst v13;
	v12 =	vadd.f32 v12, v2  }
0x11b: {  	v6 =	vadd.f32 v51, v2;
	[tilespmem:s2+$0xFFFFFEB0] =	vst v14  }
0x11c: {  	[tilespmem:s2+$0xFFFFFEE0] =	vst v12;
	v12 =	vadd.f32 v55, v2  }
0x11d: {  	[tilespmem:s2+$0xFFFFFEA0] =	vst v6  }
0x11e: {  	[tilespmem:s2+$0xFFFFFE60] =	vst v12  }
0x11f: {  	[hbm4b:s10+s21] =	stream.strided.scatter [tilespmem:s28], [sflag:$0x2], $0x8000, s23, s21, $0x38;
	[tilespmem:$0x10A80] =	vst v63  }
0x120: {  	_ =	swait.ge [sflag:s29], $0x1000  }
0x121: {  	[sflag:s29] =	ssyncset.done $0x0  }
0x122: {  	[sflag:s29] =	ssyncadd.s32 $0xFFFFF000  }
0x123: {  	_ =	swait.ge [sflag:s29], $0x800  }
0x124: {  	[sflag:s29] =	ssyncset.done $0x0  }
0x125: {  	[sflag:s29] =	ssyncadd.s32 $0xFFFFF800  }
0x126: {  	_ =	swait.ge [sflag:s29], $0x800  }
0x127: {  	[sflag:s29] =	ssyncset.done $0x0  }
0x128: {  	[sflag:s29] =	ssyncadd.s32 $0xFFFFF800  }
0x129: {  	_ =	swait.ge [sflag:s29], $0x1000  }
0x12a: {  	[sflag:s29] =	ssyncset.done $0x0  }
0x12b: {  	[sflag:s29] =	ssyncadd.s32 $0xFFFFF000  }
0x12c: {  	_ =	swait.ge [sflag:s29], $0x800  }
0x12d: {  	[sflag:s29] =	ssyncset.done $0x0  }
0x12e: {  	[sflag:s29] =	ssyncadd.s32 $0xFFFFF800  }
0x12f: {  	_ =	swait.ge [sflag:s29], $0x800  }
0x130: {  	[sflag:s29] =	ssyncset.done $0x0  }
0x131: {  	[sflag:s29] =	ssyncadd.s32 $0xFFFFF800  }
0x132: {  	_ =	swait.ge [sflag:s29], $0x1000  }
0x133: {  	[sflag:s29] =	ssyncset.done $0x0  }
0x134: {  	[sflag:s29] =	ssyncadd.s32 $0xFFFFF000  }
0x135: {  	_ =	swait.ge [sflag:s29], $0x800  }
0x136: {  	[sflag:s29] =	ssyncset.done $0x0  }
0x137: {  	[sflag:s29] =	ssyncadd.s32 $0xFFFFF800  }
0x138: {  	_ =	swait.ge [sflag:s29], $0x800  }
0x139: {  	[sflag:s29] =	ssyncset.done $0x0  }
0x13a: {  	[sflag:s29] =	ssyncadd.s32 $0xFFFFF800  }
0x13b: {  	_ =	swait.ge [sflag:s29], $0x1000  }
0x13c: {  	[sflag:s29] =	ssyncset.done $0x0  }
0x13d: {  	[sflag:s29] =	ssyncadd.s32 $0xFFFFF000  }
0x13e: {  	_ =	swait.ge [sflag:s29], $0x800  }
0x13f: {  	[sflag:s29] =	ssyncset.done $0x0  }
0x140: {  	[sflag:s29] =	ssyncadd.s32 $0xFFFFF800  }
0x141: {  	_ =	swait.ge [sflag:s29], $0x800  }
0x142: {  	[sflag:s29] =	ssyncset.done $0x0  }
0x143: {  	[sflag:s29] =	ssyncadd.s32 $0xFFFFF800  }
0x144: {  	[hbm4b:s13+s30] =	stream.strided.scatter [tilespmem:s24], [sflag:$0x2], $0x4000, s23, s30, $0x38;
	[tilespmem:$0x10A80] =	vst v63  }
0x145: {  	_ = 	snop  }
0x146: {  	[hbm4b:s14+s31] =	stream.strided.scatter [tilespmem:s25], [sflag:$0x2], $0x2000, s23, s31, $0x38;
	[tilespmem:$0x10A80] =	vst v63  }
0x147: {  	_ = 	snop  }
0x148: {  	[hbm4b:s15+s31] =	stream.strided.scatter [tilespmem:s26], [sflag:$0x2], $0x2000, s23, s31, $0x38;
	[tilespmem:$0x10A80] =	vst v63  }
0x149: {  	_ =	swait.ge [sflag:s22], $0x8000  }
0x14a: {  	[sflag:s22] =	ssyncset.done $0x0  }
0x14b: {  	[sflag:s22] =	ssyncadd.s32 $0xFFFF8000  }
0x14c: {  	_ =	swait.ge [sflag:s22], $0x4000  }
0x14d: {  	[sflag:s22] =	ssyncset.done $0x0  }
0x14e: {  	s0 =	sadd.s32 $0x1, s0;
	[sflag:s22] =	ssyncadd.s32 $0xFFFFC000  }
0x14f: {  	p0 =	sne.s32 s0, s16;
	_ =	swait.ge [sflag:s22], $0x2000  }
.Ltmp1:
0x150: {  	[sflag:s22] =	ssyncset.done $0x0;
	(pc) =	sbr.rel @p0 .LBB2_1-.Ltmp1, $4  }
0x151: {  	[sflag:s22] =	ssyncadd.s32 $0xFFFFE000  }
0x152: {  	_ =	swait.ge [sflag:s22], $0x2000  }
0x153: {  	[sflag:s22] =	ssyncset.done $0x0  }
0x154: {  	[sflag:s22] =	ssyncadd.s32 $0xFFFFE000  }
0x155: {  	_ =	sfence.sel $0x180000  }
0x156: {  	[bflag:$0x0] =	sbarrier.arrive $0xFFFF  }
0x157: {  	_ =	strace $0x90000047  }
0x158: {  	s0 =	stileid.u32;
	[bflag:$0x2] =	sbarrier.arrive $0xFFFF  }
0x159: {  	p0 =	sne.s32 s0, $0x0;
	s0 =	rddreg [dreg:$0x7]  }
0x15a: {  	s0 =	sadd.s32 @!p0 $0x100000, s0  }
0x15b: {  	[sflag:s0] =	ssyncadd.tile.s32 @!p0 $0x1;
	_ =	shalt  }
.Lfunc_end2:
_tile_overlayer_lowered:
.L_overlay_start_2:
0x15c: {  	(tag) =	ssettag $0x2  }
0x15d: {  	s0 =	rddreg [dreg:$0x0];
	s2 =	stileid.u32  }
0x15e: {  	s1 =	rddreg [dreg:$0x1];
	p0 =	sne.s32 s2, $0x0  }
0x15f: {  	s3 =	rddreg [dreg:$0x2];
	[bflag:$0x3] =	sbarrier.arrive $0xFFFF;
	s2 =	simm.s32 @!p0 $0x1C03  }
0x160: {  	[timem:s3], [sflag:s2] =	dma.local @!p0 [hbm:s0], s1  }
0x161: {  	s0 =	simm.s32 @!p0 $0x3  }
0x162: {  	_ =	swait.ge @!p0 [sflag:s0], s1  }
0x163: {  	s1 =	ssub.s32 @!p0 $0x0, s1;
	[sflag:s0] =	ssyncset.done @!p0 $0x0  }
0x164: {  	[sflag:s0] =	ssyncadd.s32 @!p0 s1  }
0x165: {  	[bflag:$0x3] =	sbarrier.arrive $0xFFFF  }
0x166: {  	_ =	shalt  }

</sc_bundles>
